<compile_context>
chip_gen: v7x
topology: tpu7x:2x2x1
jax: 0.10.2.dev20260603
libtpu: 0.0.44.dev20260713+nightly
codegen_flags: <defaults>
</compile_context>

<pallas_src>
import functools

import jax
import jax.numpy as jnp
from jax import lax
from jax.experimental import pallas as pl
from jax.experimental.pallas import tpu as pltpu
from jax.experimental.pallas import tpu_sc as plsc

N, D = 16384, 512
LO_MID, HI_MID = 30, 60

_info = plsc.get_sparse_core_info()
NC, NS, L = _info.num_cores, _info.num_subcores, _info.num_lanes
NW = NC * NS

N_SC = 4096
N_TC = N - N_SC
RPW = N_SC // NW
CH = 64
NCH = RPW // CH
JD = D // L

BR = 1024
G_TC = N_TC // BR


def _sc_partials(w_mean, ages, anchors):
    mesh = plsc.VectorSubcoreMesh(core_axis_name="c", subcore_axis_name="s")

    @functools.partial(
        pl.kernel,
        mesh=mesh,
        out_type=jax.ShapeDtypeStruct((NW, L), jnp.float32),
        scratch_types=[
            pltpu.VMEM((2, CH, D), jnp.float32),
            pltpu.VMEM((RPW,), jnp.float32),
            pltpu.VMEM((RPW,), jnp.int32),
            pltpu.VMEM((2, D), jnp.float32),
            pltpu.VMEM((D,), jnp.float32),
            pltpu.VMEM((L,), jnp.float32),
            pltpu.SemaphoreType.DMA,
            pltpu.SemaphoreType.DMA,
        ],
    )
    def k(w_hbm, ages_hbm, anch_hbm, out_hbm,
          wbuf, mval, agev, anch, dd, accv, sem0, sem1):
        cid = lax.axis_index("c")
        sid = lax.axis_index("s")
        wid = sid * NC + cid
        base = N_TC + wid * RPW

        pltpu.sync_copy(ages_hbm.at[pl.ds(base, RPW)], agev)
        pltpu.sync_copy(anch_hbm, anch)

        def prep_m(g, carry):
            a16 = agev[pl.ds(g * L, L)]
            d0 = jnp.abs(a16 - LO_MID)
            d1 = jnp.abs(a16 - HI_MID)
            mval[pl.ds(g * L, L)] = jnp.where(d1 < d0, 1.0, 0.0).astype(jnp.float32)
            return carry

        lax.fori_loop(0, RPW // L, prep_m, 0)

        def prep_dd(j, carry):
            dd[pl.ds(j * L, L)] = anch[1, pl.ds(j * L, L)] - anch[0, pl.ds(j * L, L)]
            return carry

        lax.fori_loop(0, JD, prep_dd, 0)

        sems = (sem0, sem1)

        def start(c, b):
            return pltpu.async_copy(
                w_hbm.at[pl.ds(base + c * CH, CH)], wbuf.at[b], sems[b])

        h = start(0, 0)
        acc = jnp.zeros((L,), jnp.float32)
        for c in range(NCH):
            b = c % 2
            h_next = start(c + 1, 1 - b) if c + 1 < NCH else None
            h.wait()

            def col_body(j, acc, c=c, b=b):
                a0 = anch[0, pl.ds(j * L, L)]
                dv = dd[pl.ds(j * L, L)]

                def grp_body(g, acc):
                    mv = mval[pl.ds(c * CH + g * L, L)]
                    for kk in range(L):
                        w = wbuf[b, g * L + kk, pl.ds(j * L, L)]
                        mb = jnp.broadcast_to(mv[kk], (L,))
                        t = w - a0 - mb * dv
                        acc = acc + t * t
                    return acc

                return lax.fori_loop(0, CH // L, grp_body, acc)

            acc = lax.fori_loop(0, JD, col_body, acc)
            h = h_next

        accv[...] = acc
        pltpu.sync_copy(accv, out_hbm.at[wid])

    return k(w_mean, ages, anchors)


def _tc_body(w_ref, ages_ref, anch_ref, out_ref):
    i = pl.program_id(0)

    @pl.when(i == 0)
    def _():
        out_ref[...] = jnp.zeros_like(out_ref)

    ages = ages_ref[0]
    d0 = jnp.abs(ages - LO_MID)
    d1 = jnp.abs(ages - HI_MID)
    m8 = jnp.where(d1 < d0, 1.0, 0.0).astype(jnp.float32)
    n1 = jnp.sum(m8)
    ones_row = jnp.ones((1, 128), jnp.float32)
    zeros6 = jnp.zeros((6, 128), jnp.float32)
    mm = jnp.zeros((8, D), jnp.float32)
    sq = jnp.zeros((1, D), jnp.float32)
    for j in range(8):
        wj = w_ref[pl.ds(j * 128, 128), :]
        lhs_j = jnp.concatenate(
            [ones_row, m8[j:j + 1, :], zeros6], axis=0)
        mm = mm + jnp.dot(lhs_j, wj, preferred_element_type=jnp.float32)
        sq = sq + jnp.dot(ones_row, wj * wj,
                          preferred_element_type=jnp.float32)
    contrib = jnp.concatenate(
        [sq, mm[0:2, :], jnp.full((1, D), n1, jnp.float32),
         jnp.zeros((4, D), jnp.float32)], axis=0)
    out_ref[...] += contrib

    @pl.when(i == G_TC - 1)
    def _():
        o = out_ref[...]
        a0 = anch_ref[0:1, :]
        a1 = anch_ref[1:2, :]
        sqs = jnp.sum(o[0:1, :])
        sv = o[1:2, :]
        s1v = o[2:3, :]
        n1s = jnp.sum(o[3:4, :]) * (1.0 / D)
        total = (sqs
                 - 2.0 * jnp.sum((sv - s1v) * a0)
                 - 2.0 * jnp.sum(s1v * a1)
                 + (jnp.float32(N_TC) - n1s) * jnp.sum(a0 * a0)
                 + n1s * jnp.sum(a1 * a1))
        out_ref[4:5, :] = jnp.full((1, D), total, jnp.float32)


def _tc_partials(w_mean, ages, anchors):
    anch8 = jnp.concatenate(
        [anchors, jnp.zeros((6, D), jnp.float32)], axis=0)
    return pl.pallas_call(
        _tc_body,
        grid=(G_TC,),
        in_specs=[
            pl.BlockSpec((BR, D), lambda i: (i, 0)),
            pl.BlockSpec((1, 8, 128), lambda i: (i, 0, 0)),
            pl.BlockSpec((8, D), lambda i: (0, 0)),
        ],
        out_specs=pl.BlockSpec((8, D), lambda i: (0, 0)),
        out_shape=jax.ShapeDtypeStruct((8, D), jnp.float32),
    )(w_mean, ages.reshape(N // BR, 8, 128), anch8)


def kernel(w_mean, target_ages_years, anchors):
    sc_part = _sc_partials(w_mean, target_ages_years, anchors)
    tc_part = _tc_partials(w_mean, target_ages_years, anchors)
    total = tc_part[4, 0] + jnp.sum(sc_part)
    return total / jnp.float32(N * D)

# --- scband reference (transcript-rebuilt; emitter-appended) ---
"""Pipeline reference for scband-age-anchor-loss-62612033241829 (READ-ONLY COPY).

The authoritative reference and input builder live on the scoring server;
editing this copy changes nothing except your own understanding.
"""

import jax, jax.numpy as jnp
import numpy as np

BIN_MIDS = [30, 60]

def setup_inputs(seed: int = 0) -> dict:
    key = jax.random.key(seed)
    k1, k2, k3 = jax.random.split(key, 3)
    w_mean = jax.random.normal(k1, (16384, 512), dtype=jnp.float32)
    target_ages_years = jax.random.randint(k2, (16384,), 0, 100, dtype=jnp.int32)
    # learned buffer: anchors sized per init_kwargs [Bbins=2, 512]
    anchors = jax.random.normal(k3, (2, 512), dtype=jnp.float32)
    return {"w_mean": w_mean, "target_ages_years": target_ages_years, "anchors": anchors}

def reference(w_mean, target_ages_years, anchors):
    # nearest-bin index via argmin over |age - mid|
    mids = jnp.asarray(BIN_MIDS, dtype=target_ages_years.dtype)
    diffs = jnp.abs(target_ages_years[:, None] - mids[None, :])
    idx = jnp.argmin(diffs, axis=1)
    # gather anchors by nearest bin (index_select)
    sel = jnp.take(anchors, idx, axis=0)
    d = w_mean - sel
    return jnp.mean(jnp.power(d, 2), axis=1).mean()

if __name__ == "__main__":
    import jax
    _d = setup_inputs()
    print(jax.jit(kernel)(*tuple(_d.values())))

</pallas_src>

<mosaic_0001>
#map = affine_map<(d0, d1) -> (0, 0)>
#map1 = affine_map<(d0, d1) -> (0)>
module attributes {stable_mosaic.version = 14 : i64} {
  func.func @k(%arg0: i32, %arg1: i32, %arg2: memref<16384x512xf32, #tpu.memory_space<hbm>>, %arg3: memref<16384xi32, #tpu.memory_space<hbm>>, %arg4: memref<2x512xf32, #tpu.memory_space<hbm>>, %arg5: memref<32x16xf32, #tpu.memory_space<hbm>>, %arg6: memref<2x64x512xf32, #tpu.memory_space<vmem>>, %arg7: memref<128xf32, #tpu.memory_space<vmem>>, %arg8: memref<128xi32, #tpu.memory_space<vmem>>, %arg9: memref<2x512xf32, #tpu.memory_space<vmem>>, %arg10: memref<512xf32, #tpu.memory_space<vmem>>, %arg11: memref<16xf32, #tpu.memory_space<vmem>>, %arg12: memref<!tpu.dma_semaphore, #tpu.memory_space<semaphore_mem>>, %arg13: memref<!tpu.dma_semaphore, #tpu.memory_space<semaphore_mem>>) attributes {dimension_semantics = [#tpu.dimension_semantics<core_parallel>, #tpu.dimension_semantics<subcore_parallel>], iteration_bounds = array<i64: 2, 16>, scalar_prefetch = 0 : i64, scratch_operands = 8 : i64, tpu.core_type = #tpu.core_type<sc_vector_subcore>, window_params = [{transform_indices = #map}, {transform_indices = #map1}, {transform_indices = #map}, {transform_indices = #map}]} {
    %mul3A = arith.constant 2 : i32
    %mul3A_0 = arith.muli %arg1, %mul3A : i32
    %add3A = arith.addi %mul3A_0, %arg0 : i32
    %mul3A_1 = arith.constant 128 : i32
    %mul3A_2 = arith.muli %add3A, %mul3A_1 : i32
    %add3A_3 = arith.constant 12288 : i32
    %add3A_4 = arith.addi %add3A_3, %mul3A_2 : i32
    "tpu.region"() ({
      %run_scoped3A = tpu.sem_alloc : memref<!tpu.dma_semaphore, #tpu.memory_space<semaphore_mem>>
      %dma_start3A_86 = tpu.memref_slice %arg3[%add3A_4] : memref<16384xi32, #tpu.memory_space<hbm>> -> memref<128xi32, #tpu.memory_space<hbm>>
      %dma_start3A_87 = tpu.memref_slice %arg3[%add3A_4] : memref<16384xi32, #tpu.memory_space<hbm>> -> memref<128xi32, #tpu.memory_space<hbm>>
      tpu.enqueue_dma source(%dma_start3A_87 : memref<128xi32, #tpu.memory_space<hbm>>) target(%arg8 : memref<128xi32, #tpu.memory_space<vmem>>) target_semaphore(%run_scoped3A : memref<!tpu.dma_semaphore, #tpu.memory_space<semaphore_mem>>)
      %dma_wait3A_88 = tpu.memref_slice %arg3[%add3A_4] : memref<16384xi32, #tpu.memory_space<hbm>> -> memref<128xi32, #tpu.memory_space<hbm>>
      %dma_wait3A_89 = tpu.memref_slice %arg3[%add3A_4] : memref<16384xi32, #tpu.memory_space<hbm>> -> memref<128xi32, #tpu.memory_space<hbm>>
      tpu.wait_dma2 semaphore(%run_scoped3A : memref<!tpu.dma_semaphore, #tpu.memory_space<semaphore_mem>>) src(%dma_wait3A_89 : memref<128xi32, #tpu.memory_space<hbm>>) dst(%arg8 : memref<128xi32, #tpu.memory_space<vmem>>)
      tpu.yield
    }) : () -> ()
    "tpu.region"() ({
      %run_scoped3A = tpu.sem_alloc : memref<!tpu.dma_semaphore, #tpu.memory_space<semaphore_mem>>
      tpu.enqueue_dma source(%arg4 : memref<2x512xf32, #tpu.memory_space<hbm>>) target(%arg9 : memref<2x512xf32, #tpu.memory_space<vmem>>) target_semaphore(%run_scoped3A : memref<!tpu.dma_semaphore, #tpu.memory_space<semaphore_mem>>)
      tpu.wait_dma2 semaphore(%run_scoped3A : memref<!tpu.dma_semaphore, #tpu.memory_space<semaphore_mem>>) src(%arg4 : memref<2x512xf32, #tpu.memory_space<hbm>>) dst(%arg9 : memref<2x512xf32, #tpu.memory_space<vmem>>)
      tpu.yield
    }) : () -> ()
    %scan3A = arith.constant 0 : i32
    %scan3A_5 = arith.constant 0 : i32
    %scan3A_6 = arith.constant 8 : i32
    %scan3A_7 = arith.addi %scan3A_5, %scan3A_6 : i32
    %scan3A_8 = arith.constant 1 : i32
    scf.for %scan3A_86 = %scan3A_5 to %scan3A_7 step %scan3A_8  : i32 {
      %mul3A_87 = arith.constant 16 : i32
      %mul3A_88 = arith.muli %scan3A_86, %mul3A_87 : i32
      %get3A = arith.index_cast %mul3A_88 : i32 to index
      %get3A_89 = tpu.vector_load %arg8[%get3A] {strides = array<i32>} : memref<128xi32, #tpu.memory_space<vmem>>, vector<16xi32>,
      %get3A_90 = vector.shape_cast %get3A_89 : vector<16xi32> to vector<16xi32>
      %sub3A = arith.constant 30 : i32
      %sub3A_91 = vector.broadcast %sub3A : i32 to vector<16xi32>
      %sub3A_92 = arith.subi %get3A_90, %sub3A_91 : vector<16xi32>
      %abs3A = math.absi %sub3A_92 : vector<16xi32>
      %sub3A_93 = arith.constant 60 : i32
      %sub3A_94 = vector.broadcast %sub3A_93 : i32 to vector<16xi32>
      %sub3A_95 = arith.subi %get3A_90, %sub3A_94 : vector<16xi32>
      %abs3A_96 = math.absi %sub3A_95 : vector<16xi32>
      %lt3A = arith.cmpi slt, %abs3A_96, %abs3A : vector<16xi32>
      %jit3A = arith.constant 1.000000e+00 : f32
      %jit3A_97 = arith.constant 0.000000e+00 : f32
      %broadcast_in_dim3A_98 = vector.broadcast %jit3A : f32 to vector<16xf32>
      %broadcast_in_dim3A_99 = vector.broadcast %jit3A_97 : f32 to vector<16xf32>
      %select_n3A = arith.select %lt3A, %broadcast_in_dim3A_98, %broadcast_in_dim3A_99 : vector<16xi1>, vector<16xf32>
      %mul3A_100 = arith.constant 16 : i32
      %mul3A_101 = arith.muli %scan3A_86, %mul3A_100 : i32
      %swap3A_102 = arith.index_cast %mul3A_101 : i32 to index
      %swap3A_103 = tpu.vector_load %arg7[%swap3A_102] {strides = array<i32>} : memref<128xf32, #tpu.memory_space<vmem>>, vector<16xf32>,
      %swap3A_104 = vector.shape_cast %swap3A_103 : vector<16xf32> to vector<16xf32>
      %swap3A_105 = vector.shape_cast %select_n3A : vector<16xf32> to vector<16xf32>
      tpu.vector_store %arg7[%swap3A_102], %swap3A_105 {strides = array<i32>} : memref<128xf32, #tpu.memory_space<vmem>>, vector<16xf32>,
    }
    %scan3A_9 = arith.constant 8 : i32
    %scan3A_10 = arith.constant 0 : i32
    %scan3A_11 = arith.constant 0 : i32
    %scan3A_12 = arith.constant 32 : i32
    %scan3A_13 = arith.addi %scan3A_11, %scan3A_12 : i32
    %scan3A_14 = arith.constant 1 : i32
    scf.for %scan3A_86 = %scan3A_11 to %scan3A_13 step %scan3A_14  : i32 {
      %mul3A_87 = arith.constant 16 : i32
      %mul3A_88 = arith.muli %scan3A_86, %mul3A_87 : i32
      %get3A = arith.constant 1 : i32
      %get3A_89 = arith.index_cast %get3A : i32 to index
      %get3A_90 = arith.index_cast %mul3A_88 : i32 to index
      %get3A_91 = tpu.vector_load %arg9[%get3A_89, %get3A_90] {strides = array<i32>} : memref<2x512xf32, #tpu.memory_space<vmem>>, vector<1x16xf32>,
      %get3A_92 = vector.shape_cast %get3A_91 : vector<1x16xf32> to vector<16xf32>
      %mul3A_93 = arith.constant 16 : i32
      %mul3A_94 = arith.muli %scan3A_86, %mul3A_93 : i32
      %get3A_95 = arith.constant 0 : i32
      %get3A_96 = arith.index_cast %get3A_95 : i32 to index
      %get3A_97 = arith.index_cast %mul3A_94 : i32 to index
      %get3A_98 = tpu.vector_load %arg9[%get3A_96, %get3A_97] {strides = array<i32>} : memref<2x512xf32, #tpu.memory_space<vmem>>, vector<1x16xf32>,
      %get3A_99 = vector.shape_cast %get3A_98 : vector<1x16xf32> to vector<16xf32>
      %sub3A = arith.subf %get3A_92, %get3A_99 : vector<16xf32>
      %mul3A_100 = arith.constant 16 : i32
      %mul3A_101 = arith.muli %scan3A_86, %mul3A_100 : i32
      %swap3A_102 = arith.index_cast %mul3A_101 : i32 to index
      %swap3A_103 = tpu.vector_load %arg10[%swap3A_102] {strides = array<i32>} : memref<512xf32, #tpu.memory_space<vmem>>, vector<16xf32>,
      %swap3A_104 = vector.shape_cast %swap3A_103 : vector<16xf32> to vector<16xf32>
      %swap3A_105 = vector.shape_cast %sub3A : vector<16xf32> to vector<16xf32>
      tpu.vector_store %arg10[%swap3A_102], %swap3A_105 {strides = array<i32>} : memref<512xf32, #tpu.memory_space<vmem>>, vector<16xf32>,
    }
    %scan3A_15 = arith.constant 32 : i32
    %add3A_16 = arith.constant 0 : i32
    %add3A_17 = arith.addi %add3A_4, %add3A_16 : i32
    %dma_start3A = arith.constant 0 : i32
    %dma_start3A_18 = arith.constant 0 : i32
    %dma_start3A_19 = arith.constant 0 : i32
    %dma_start3A_20 = tpu.memref_slice %arg6[%dma_start3A, %dma_start3A_18, %dma_start3A_19] : memref<2x64x512xf32, #tpu.memory_space<vmem>> -> memref<1x64x512xf32, #tpu.memory_space<vmem>>
    %dma_start3A_21 = tpu.memref_squeeze %dma_start3A_20 : memref<1x64x512xf32, #tpu.memory_space<vmem>> -> memref<64x512xf32, #tpu.memory_space<vmem>>
    %dma_start3A_22 = arith.constant 0 : i32
    %dma_start3A_23 = tpu.memref_slice %arg2[%add3A_17, %dma_start3A_22] : memref<16384x512xf32, #tpu.memory_space<hbm>> -> memref<64x512xf32, #tpu.memory_space<hbm>>
    %dma_start3A_24 = arith.constant 0 : i32
    %dma_start3A_25 = arith.constant 0 : i32
    %dma_start3A_26 = tpu.memref_slice %arg6[%dma_start3A, %dma_start3A_24, %dma_start3A_25] : memref<2x64x512xf32, #tpu.memory_space<vmem>> -> memref<1x64x512xf32, #tpu.memory_space<vmem>>
    %dma_start3A_27 = tpu.memref_squeeze %dma_start3A_26 : memref<1x64x512xf32, #tpu.memory_space<vmem>> -> memref<64x512xf32, #tpu.memory_space<vmem>>
    %dma_start3A_28 = arith.constant 0 : i32
    %dma_start3A_29 = tpu.memref_slice %arg2[%add3A_17, %dma_start3A_28] : memref<16384x512xf32, #tpu.memory_space<hbm>> -> memref<64x512xf32, #tpu.memory_space<hbm>>
    tpu.enqueue_dma source(%dma_start3A_29 : memref<64x512xf32, #tpu.memory_space<hbm>>) target(%dma_start3A_27 : memref<64x512xf32, #tpu.memory_space<vmem>>) target_semaphore(%arg12 : memref<!tpu.dma_semaphore, #tpu.memory_space<semaphore_mem>>)
    %broadcast_in_dim3A = arith.constant 0.000000e+00 : f32
    %broadcast_in_dim3A_30 = vector.broadcast %broadcast_in_dim3A : f32 to vector<16xf32>
    %add3A_31 = arith.constant 64 : i32
    %add3A_32 = arith.addi %add3A_4, %add3A_31 : i32
    %dma_start3A_33 = arith.constant 1 : i32
    %dma_start3A_34 = arith.constant 0 : i32
    %dma_start3A_35 = arith.constant 0 : i32
    %dma_start3A_36 = tpu.memref_slice %arg6[%dma_start3A_33, %dma_start3A_34, %dma_start3A_35] : memref<2x64x512xf32, #tpu.memory_space<vmem>> -> memref<1x64x512xf32, #tpu.memory_space<vmem>>
    %dma_start3A_37 = tpu.memref_squeeze %dma_start3A_36 : memref<1x64x512xf32, #tpu.memory_space<vmem>> -> memref<64x512xf32, #tpu.memory_space<vmem>>
    %dma_start3A_38 = arith.constant 0 : i32
    %dma_start3A_39 = tpu.memref_slice %arg2[%add3A_32, %dma_start3A_38] : memref<16384x512xf32, #tpu.memory_space<hbm>> -> memref<64x512xf32, #tpu.memory_space<hbm>>
    %dma_start3A_40 = arith.constant 0 : i32
    %dma_start3A_41 = arith.constant 0 : i32
    %dma_start3A_42 = tpu.memref_slice %arg6[%dma_start3A_33, %dma_start3A_40, %dma_start3A_41] : memref<2x64x512xf32, #tpu.memory_space<vmem>> -> memref<1x64x512xf32, #tpu.memory_space<vmem>>
    %dma_start3A_43 = tpu.memref_squeeze %dma_start3A_42 : memref<1x64x512xf32, #tpu.memory_space<vmem>> -> memref<64x512xf32, #tpu.memory_space<vmem>>
    %dma_start3A_44 = arith.constant 0 : i32
    %dma_start3A_45 = tpu.memref_slice %arg2[%add3A_32, %dma_start3A_44] : memref<16384x512xf32, #tpu.memory_space<hbm>> -> memref<64x512xf32, #tpu.memory_space<hbm>>
    tpu.enqueue_dma source(%dma_start3A_45 : memref<64x512xf32, #tpu.memory_space<hbm>>) target(%dma_start3A_43 : memref<64x512xf32, #tpu.memory_space<vmem>>) target_semaphore(%arg13 : memref<!tpu.dma_semaphore, #tpu.memory_space<semaphore_mem>>)
    %dma_wait3A = arith.constant 0 : i32
    %dma_wait3A_46 = arith.constant 0 : i32
    %dma_wait3A_47 = arith.constant 0 : i32
    %dma_wait3A_48 = tpu.memref_slice %arg6[%dma_wait3A, %dma_wait3A_46, %dma_wait3A_47] : memref<2x64x512xf32, #tpu.memory_space<vmem>> -> memref<1x64x512xf32, #tpu.memory_space<vmem>>
    %dma_wait3A_49 = tpu.memref_squeeze %dma_wait3A_48 : memref<1x64x512xf32, #tpu.memory_space<vmem>> -> memref<64x512xf32, #tpu.memory_space<vmem>>
    %dma_wait3A_50 = arith.constant 0 : i32
    %dma_wait3A_51 = tpu.memref_slice %arg2[%add3A_17, %dma_wait3A_50] : memref<16384x512xf32, #tpu.memory_space<hbm>> -> memref<64x512xf32, #tpu.memory_space<hbm>>
    %dma_wait3A_52 = arith.constant 0 : i32
    %dma_wait3A_53 = arith.constant 0 : i32
    %dma_wait3A_54 = tpu.memref_slice %arg6[%dma_wait3A, %dma_wait3A_52, %dma_wait3A_53] : memref<2x64x512xf32, #tpu.memory_space<vmem>> -> memref<1x64x512xf32, #tpu.memory_space<vmem>>
    %dma_wait3A_55 = tpu.memref_squeeze %dma_wait3A_54 : memref<1x64x512xf32, #tpu.memory_space<vmem>> -> memref<64x512xf32, #tpu.memory_space<vmem>>
    %dma_wait3A_56 = arith.constant 0 : i32
    %dma_wait3A_57 = tpu.memref_slice %arg2[%add3A_17, %dma_wait3A_56] : memref<16384x512xf32, #tpu.memory_space<hbm>> -> memref<64x512xf32, #tpu.memory_space<hbm>>
    tpu.wait_dma2 semaphore(%arg12 : memref<!tpu.dma_semaphore, #tpu.memory_space<semaphore_mem>>) src(%dma_wait3A_57 : memref<64x512xf32, #tpu.memory_space<hbm>>) dst(%dma_wait3A_55 : memref<64x512xf32, #tpu.memory_space<vmem>>)
    %scan3A_58 = arith.constant 0 : i32
    %scan3A_59 = arith.constant 32 : i32
    %scan3A_60 = arith.addi %scan3A_58, %scan3A_59 : i32
    %scan3A_61 = arith.constant 1 : i32
    %scan3A_62 = scf.for %scan3A_86 = %scan3A_58 to %scan3A_60 step %scan3A_61 iter_args(%scan3A_87 = %broadcast_in_dim3A_30) -> (vector<16xf32>)  : i32 {
      %mul3A_88 = arith.constant 16 : i32
      %mul3A_89 = arith.muli %scan3A_86, %mul3A_88 : i32
      %get3A = arith.constant 0 : i32
      %get3A_90 = arith.index_cast %get3A : i32 to index
      %get3A_91 = arith.index_cast %mul3A_89 : i32 to index
      %get3A_92 = tpu.vector_load %arg9[%get3A_90, %get3A_91] {strides = array<i32>} : memref<2x512xf32, #tpu.memory_space<vmem>>, vector<1x16xf32>,
      %get3A_93 = vector.shape_cast %get3A_92 : vector<1x16xf32> to vector<16xf32>
      %mul3A_94 = arith.constant 16 : i32
      %mul3A_95 = arith.muli %scan3A_86, %mul3A_94 : i32
      %get3A_96 = arith.index_cast %mul3A_95 : i32 to index
      %get3A_97 = tpu.vector_load %arg10[%get3A_96] {strides = array<i32>} : memref<512xf32, #tpu.memory_space<vmem>>, vector<16xf32>,
      %get3A_98 = vector.shape_cast %get3A_97 : vector<16xf32> to vector<16xf32>
      %scan3A_99 = arith.constant 0 : i32
      %scan3A_100 = arith.constant 4 : i32
      %scan3A_101 = arith.addi %scan3A_99, %scan3A_100 : i32
      %scan3A_102 = arith.constant 1 : i32
      %scan3A_103 = scf.for %scan3A_105 = %scan3A_99 to %scan3A_101 step %scan3A_102 iter_args(%scan3A_106 = %scan3A_87) -> (vector<16xf32>)  : i32 {
        %mul3A_107 = arith.constant 16 : i32
        %mul3A_108 = arith.muli %scan3A_105, %mul3A_107 : i32
        %add3A_109 = arith.constant 0 : i32
        %add3A_110 = arith.addi %add3A_109, %mul3A_108 : i32
        %get3A_111 = arith.index_cast %add3A_110 : i32 to index
        %get3A_112 = tpu.vector_load %arg7[%get3A_111] {strides = array<i32>} : memref<128xf32, #tpu.memory_space<vmem>>, vector<16xf32>,
        %get3A_113 = vector.shape_cast %get3A_112 : vector<16xf32> to vector<16xf32>
        %mul3A_114 = arith.constant 16 : i32
        %mul3A_115 = arith.muli %scan3A_105, %mul3A_114 : i32
        %add3A_116 = arith.constant 0 : i32
        %add3A_117 = arith.addi %mul3A_115, %add3A_116 : i32
        %mul3A_118 = arith.constant 16 : i32
        %mul3A_119 = arith.muli %scan3A_86, %mul3A_118 : i32
        %get3A_120 = arith.constant 0 : i32
        %get3A_121 = arith.index_cast %get3A_120 : i32 to index
        %get3A_122 = arith.index_cast %add3A_117 : i32 to index
        %get3A_123 = arith.index_cast %mul3A_119 : i32 to index
        %get3A_124 = tpu.vector_load %arg6[%get3A_121, %get3A_122, %get3A_123] {strides = array<i32>} : memref<2x64x512xf32, #tpu.memory_space<vmem>>, vector<1x1x16xf32>,
        %get3A_125 = vector.shape_cast %get3A_124 : vector<1x1x16xf32> to vector<16xf32>
        %slice3A = vector.extract_strided_slice %get3A_113 {offsets = [0], sizes = [1], strides = [1]} : vector<16xf32> to vector<1xf32>
        %squeeze3A = vector.extract %slice3A[0] : f32 from vector<1xf32>
        %broadcast_in_dim3A_126 = vector.broadcast %squeeze3A : f32 to vector<16xf32>
        %sub3A = arith.subf %get3A_125, %get3A_93 : vector<16xf32>
        %mul3A_127 = arith.mulf %broadcast_in_dim3A_126, %get3A_98 : vector<16xf32>
        %sub3A_128 = arith.subf %sub3A, %mul3A_127 : vector<16xf32>
        %mul3A_129 = arith.mulf %sub3A_128, %sub3A_128 : vector<16xf32>
        %add3A_130 = arith.addf %scan3A_106, %mul3A_129 : vector<16xf32>
        %mul3A_131 = arith.constant 16 : i32
        %mul3A_132 = arith.muli %scan3A_105, %mul3A_131 : i32
        %add3A_133 = arith.constant 1 : i32
        %add3A_134 = arith.addi %mul3A_132, %add3A_133 : i32
        %mul3A_135 = arith.constant 16 : i32
        %mul3A_136 = arith.muli %scan3A_86, %mul3A_135 : i32
        %get3A_137 = arith.constant 0 : i32
        %get3A_138 = arith.index_cast %get3A_137 : i32 to index
        %get3A_139 = arith.index_cast %add3A_134 : i32 to index
        %get3A_140 = arith.index_cast %mul3A_136 : i32 to index
        %get3A_141 = tpu.vector_load %arg6[%get3A_138, %get3A_139, %get3A_140] {strides = array<i32>} : memref<2x64x512xf32, #tpu.memory_space<vmem>>, vector<1x1x16xf32>,
        %get3A_142 = vector.shape_cast %get3A_141 : vector<1x1x16xf32> to vector<16xf32>
        %slice3A_143 = vector.extract_strided_slice %get3A_113 {offsets = [1], sizes = [1], strides = [1]} : vector<16xf32> to vector<1xf32>
        %squeeze3A_144 = vector.extract %slice3A_143[0] : f32 from vector<1xf32>
        %broadcast_in_dim3A_145 = vector.broadcast %squeeze3A_144 : f32 to vector<16xf32>
        %sub3A_146 = arith.subf %get3A_142, %get3A_93 : vector<16xf32>
        %mul3A_147 = arith.mulf %broadcast_in_dim3A_145, %get3A_98 : vector<16xf32>
        %sub3A_148 = arith.subf %sub3A_146, %mul3A_147 : vector<16xf32>
        %mul3A_149 = arith.mulf %sub3A_148, %sub3A_148 : vector<16xf32>
        %add3A_150 = arith.addf %add3A_130, %mul3A_149 : vector<16xf32>
        %mul3A_151 = arith.constant 16 : i32
        %mul3A_152 = arith.muli %scan3A_105, %mul3A_151 : i32
        %add3A_153 = arith.constant 2 : i32
        %add3A_154 = arith.addi %mul3A_152, %add3A_153 : i32
        %mul3A_155 = arith.constant 16 : i32
        %mul3A_156 = arith.muli %scan3A_86, %mul3A_155 : i32
        %get3A_157 = arith.constant 0 : i32
        %get3A_158 = arith.index_cast %get3A_157 : i32 to index
        %get3A_159 = arith.index_cast %add3A_154 : i32 to index
        %get3A_160 = arith.index_cast %mul3A_156 : i32 to index
        %get3A_161 = tpu.vector_load %arg6[%get3A_158, %get3A_159, %get3A_160] {strides = array<i32>} : memref<2x64x512xf32, #tpu.memory_space<vmem>>, vector<1x1x16xf32>,
        %get3A_162 = vector.shape_cast %get3A_161 : vector<1x1x16xf32> to vector<16xf32>
        %slice3A_163 = vector.extract_strided_slice %get3A_113 {offsets = [2], sizes = [1], strides = [1]} : vector<16xf32> to vector<1xf32>
        %squeeze3A_164 = vector.extract %slice3A_163[0] : f32 from vector<1xf32>
        %broadcast_in_dim3A_165 = vector.broadcast %squeeze3A_164 : f32 to vector<16xf32>
        %sub3A_166 = arith.subf %get3A_162, %get3A_93 : vector<16xf32>
        %mul3A_167 = arith.mulf %broadcast_in_dim3A_165, %get3A_98 : vector<16xf32>
        %sub3A_168 = arith.subf %sub3A_166, %mul3A_167 : vector<16xf32>
        %mul3A_169 = arith.mulf %sub3A_168, %sub3A_168 : vector<16xf32>
        %add3A_170 = arith.addf %add3A_150, %mul3A_169 : vector<16xf32>
        %mul3A_171 = arith.constant 16 : i32
        %mul3A_172 = arith.muli %scan3A_105, %mul3A_171 : i32
        %add3A_173 = arith.constant 3 : i32
        %add3A_174 = arith.addi %mul3A_172, %add3A_173 : i32
        %mul3A_175 = arith.constant 16 : i32
        %mul3A_176 = arith.muli %scan3A_86, %mul3A_175 : i32
        %get3A_177 = arith.constant 0 : i32
        %get3A_178 = arith.index_cast %get3A_177 : i32 to index
        %get3A_179 = arith.index_cast %add3A_174 : i32 to index
        %get3A_180 = arith.index_cast %mul3A_176 : i32 to index
        %get3A_181 = tpu.vector_load %arg6[%get3A_178, %get3A_179, %get3A_180] {strides = array<i32>} : memref<2x64x512xf32, #tpu.memory_space<vmem>>, vector<1x1x16xf32>,
        %get3A_182 = vector.shape_cast %get3A_181 : vector<1x1x16xf32> to vector<16xf32>
        %slice3A_183 = vector.extract_strided_slice %get3A_113 {offsets = [3], sizes = [1], strides = [1]} : vector<16xf32> to vector<1xf32>
        %squeeze3A_184 = vector.extract %slice3A_183[0] : f32 from vector<1xf32>
        %broadcast_in_dim3A_185 = vector.broadcast %squeeze3A_184 : f32 to vector<16xf32>
        %sub3A_186 = arith.subf %get3A_182, %get3A_93 : vector<16xf32>
        %mul3A_187 = arith.mulf %broadcast_in_dim3A_185, %get3A_98 : vector<16xf32>
        %sub3A_188 = arith.subf %sub3A_186, %mul3A_187 : vector<16xf32>
        %mul3A_189 = arith.mulf %sub3A_188, %sub3A_188 : vector<16xf32>
        %add3A_190 = arith.addf %add3A_170, %mul3A_189 : vector<16xf32>
        %mul3A_191 = arith.constant 16 : i32
        %mul3A_192 = arith.muli %scan3A_105, %mul3A_191 : i32
        %add3A_193 = arith.constant 4 : i32
        %add3A_194 = arith.addi %mul3A_192, %add3A_193 : i32
        %mul3A_195 = arith.constant 16 : i32
        %mul3A_196 = arith.muli %scan3A_86, %mul3A_195 : i32
        %get3A_197 = arith.constant 0 : i32
        %get3A_198 = arith.index_cast %get3A_197 : i32 to index
        %get3A_199 = arith.index_cast %add3A_194 : i32 to index
        %get3A_200 = arith.index_cast %mul3A_196 : i32 to index
        %get3A_201 = tpu.vector_load %arg6[%get3A_198, %get3A_199, %get3A_200] {strides = array<i32>} : memref<2x64x512xf32, #tpu.memory_space<vmem>>, vector<1x1x16xf32>,
        %get3A_202 = vector.shape_cast %get3A_201 : vector<1x1x16xf32> to vector<16xf32>
        %slice3A_203 = vector.extract_strided_slice %get3A_113 {offsets = [4], sizes = [1], strides = [1]} : vector<16xf32> to vector<1xf32>
        %squeeze3A_204 = vector.extract %slice3A_203[0] : f32 from vector<1xf32>
        %broadcast_in_dim3A_205 = vector.broadcast %squeeze3A_204 : f32 to vector<16xf32>
        %sub3A_206 = arith.subf %get3A_202, %get3A_93 : vector<16xf32>
        %mul3A_207 = arith.mulf %broadcast_in_dim3A_205, %get3A_98 : vector<16xf32>
        %sub3A_208 = arith.subf %sub3A_206, %mul3A_207 : vector<16xf32>
        %mul3A_209 = arith.mulf %sub3A_208, %sub3A_208 : vector<16xf32>
        %add3A_210 = arith.addf %add3A_190, %mul3A_209 : vector<16xf32>
        %mul3A_211 = arith.constant 16 : i32
        %mul3A_212 = arith.muli %scan3A_105, %mul3A_211 : i32
        %add3A_213 = arith.constant 5 : i32
        %add3A_214 = arith.addi %mul3A_212, %add3A_213 : i32
        %mul3A_215 = arith.constant 16 : i32
        %mul3A_216 = arith.muli %scan3A_86, %mul3A_215 : i32
        %get3A_217 = arith.constant 0 : i32
        %get3A_218 = arith.index_cast %get3A_217 : i32 to index
        %get3A_219 = arith.index_cast %add3A_214 : i32 to index
        %get3A_220 = arith.index_cast %mul3A_216 : i32 to index
        %get3A_221 = tpu.vector_load %arg6[%get3A_218, %get3A_219, %get3A_220] {strides = array<i32>} : memref<2x64x512xf32, #tpu.memory_space<vmem>>, vector<1x1x16xf32>,
        %get3A_222 = vector.shape_cast %get3A_221 : vector<1x1x16xf32> to vector<16xf32>
        %slice3A_223 = vector.extract_strided_slice %get3A_113 {offsets = [5], sizes = [1], strides = [1]} : vector<16xf32> to vector<1xf32>
        %squeeze3A_224 = vector.extract %slice3A_223[0] : f32 from vector<1xf32>
        %broadcast_in_dim3A_225 = vector.broadcast %squeeze3A_224 : f32 to vector<16xf32>
        %sub3A_226 = arith.subf %get3A_222, %get3A_93 : vector<16xf32>
        %mul3A_227 = arith.mulf %broadcast_in_dim3A_225, %get3A_98 : vector<16xf32>
        %sub3A_228 = arith.subf %sub3A_226, %mul3A_227 : vector<16xf32>
        %mul3A_229 = arith.mulf %sub3A_228, %sub3A_228 : vector<16xf32>
        %add3A_230 = arith.addf %add3A_210, %mul3A_229 : vector<16xf32>
        %mul3A_231 = arith.constant 16 : i32
        %mul3A_232 = arith.muli %scan3A_105, %mul3A_231 : i32
        %add3A_233 = arith.constant 6 : i32
        %add3A_234 = arith.addi %mul3A_232, %add3A_233 : i32
        %mul3A_235 = arith.constant 16 : i32
        %mul3A_236 = arith.muli %scan3A_86, %mul3A_235 : i32
        %get3A_237 = arith.constant 0 : i32
        %get3A_238 = arith.index_cast %get3A_237 : i32 to index
        %get3A_239 = arith.index_cast %add3A_234 : i32 to index
        %get3A_240 = arith.index_cast %mul3A_236 : i32 to index
        %get3A_241 = tpu.vector_load %arg6[%get3A_238, %get3A_239, %get3A_240] {strides = array<i32>} : memref<2x64x512xf32, #tpu.memory_space<vmem>>, vector<1x1x16xf32>,
        %get3A_242 = vector.shape_cast %get3A_241 : vector<1x1x16xf32> to vector<16xf32>
        %slice3A_243 = vector.extract_strided_slice %get3A_113 {offsets = [6], sizes = [1], strides = [1]} : vector<16xf32> to vector<1xf32>
        %squeeze3A_244 = vector.extract %slice3A_243[0] : f32 from vector<1xf32>
        %broadcast_in_dim3A_245 = vector.broadcast %squeeze3A_244 : f32 to vector<16xf32>
        %sub3A_246 = arith.subf %get3A_242, %get3A_93 : vector<16xf32>
        %mul3A_247 = arith.mulf %broadcast_in_dim3A_245, %get3A_98 : vector<16xf32>
        %sub3A_248 = arith.subf %sub3A_246, %mul3A_247 : vector<16xf32>
        %mul3A_249 = arith.mulf %sub3A_248, %sub3A_248 : vector<16xf32>
        %add3A_250 = arith.addf %add3A_230, %mul3A_249 : vector<16xf32>
        %mul3A_251 = arith.constant 16 : i32
        %mul3A_252 = arith.muli %scan3A_105, %mul3A_251 : i32
        %add3A_253 = arith.constant 7 : i32
        %add3A_254 = arith.addi %mul3A_252, %add3A_253 : i32
        %mul3A_255 = arith.constant 16 : i32
        %mul3A_256 = arith.muli %scan3A_86, %mul3A_255 : i32
        %get3A_257 = arith.constant 0 : i32
        %get3A_258 = arith.index_cast %get3A_257 : i32 to index
        %get3A_259 = arith.index_cast %add3A_254 : i32 to index
        %get3A_260 = arith.index_cast %mul3A_256 : i32 to index
        %get3A_261 = tpu.vector_load %arg6[%get3A_258, %get3A_259, %get3A_260] {strides = array<i32>} : memref<2x64x512xf32, #tpu.memory_space<vmem>>, vector<1x1x16xf32>,
        %get3A_262 = vector.shape_cast %get3A_261 : vector<1x1x16xf32> to vector<16xf32>
        %slice3A_263 = vector.extract_strided_slice %get3A_113 {offsets = [7], sizes = [1], strides = [1]} : vector<16xf32> to vector<1xf32>
        %squeeze3A_264 = vector.extract %slice3A_263[0] : f32 from vector<1xf32>
        %broadcast_in_dim3A_265 = vector.broadcast %squeeze3A_264 : f32 to vector<16xf32>
        %sub3A_266 = arith.subf %get3A_262, %get3A_93 : vector<16xf32>
        %mul3A_267 = arith.mulf %broadcast_in_dim3A_265, %get3A_98 : vector<16xf32>
        %sub3A_268 = arith.subf %sub3A_266, %mul3A_267 : vector<16xf32>
        %mul3A_269 = arith.mulf %sub3A_268, %sub3A_268 : vector<16xf32>
        %add3A_270 = arith.addf %add3A_250, %mul3A_269 : vector<16xf32>
        %mul3A_271 = arith.constant 16 : i32
        %mul3A_272 = arith.muli %scan3A_105, %mul3A_271 : i32
        %add3A_273 = arith.constant 8 : i32
        %add3A_274 = arith.addi %mul3A_272, %add3A_273 : i32
        %mul3A_275 = arith.constant 16 : i32
        %mul3A_276 = arith.muli %scan3A_86, %mul3A_275 : i32
        %get3A_277 = arith.constant 0 : i32
        %get3A_278 = arith.index_cast %get3A_277 : i32 to index
        %get3A_279 = arith.index_cast %add3A_274 : i32 to index
        %get3A_280 = arith.index_cast %mul3A_276 : i32 to index
        %get3A_281 = tpu.vector_load %arg6[%get3A_278, %get3A_279, %get3A_280] {strides = array<i32>} : memref<2x64x512xf32, #tpu.memory_space<vmem>>, vector<1x1x16xf32>,
        %get3A_282 = vector.shape_cast %get3A_281 : vector<1x1x16xf32> to vector<16xf32>
        %slice3A_283 = vector.extract_strided_slice %get3A_113 {offsets = [8], sizes = [1], strides = [1]} : vector<16xf32> to vector<1xf32>
        %squeeze3A_284 = vector.extract %slice3A_283[0] : f32 from vector<1xf32>
        %broadcast_in_dim3A_285 = vector.broadcast %squeeze3A_284 : f32 to vector<16xf32>
        %sub3A_286 = arith.subf %get3A_282, %get3A_93 : vector<16xf32>
        %mul3A_287 = arith.mulf %broadcast_in_dim3A_285, %get3A_98 : vector<16xf32>
        %sub3A_288 = arith.subf %sub3A_286, %mul3A_287 : vector<16xf32>
        %mul3A_289 = arith.mulf %sub3A_288, %sub3A_288 : vector<16xf32>
        %add3A_290 = arith.addf %add3A_270, %mul3A_289 : vector<16xf32>
        %mul3A_291 = arith.constant 16 : i32
        %mul3A_292 = arith.muli %scan3A_105, %mul3A_291 : i32
        %add3A_293 = arith.constant 9 : i32
        %add3A_294 = arith.addi %mul3A_292, %add3A_293 : i32
        %mul3A_295 = arith.constant 16 : i32
        %mul3A_296 = arith.muli %scan3A_86, %mul3A_295 : i32
        %get3A_297 = arith.constant 0 : i32
        %get3A_298 = arith.index_cast %get3A_297 : i32 to index
        %get3A_299 = arith.index_cast %add3A_294 : i32 to index
        %get3A_300 = arith.index_cast %mul3A_296 : i32 to index
        %get3A_301 = tpu.vector_load %arg6[%get3A_298, %get3A_299, %get3A_300] {strides = array<i32>} : memref<2x64x512xf32, #tpu.memory_space<vmem>>, vector<1x1x16xf32>,
        %get3A_302 = vector.shape_cast %get3A_301 : vector<1x1x16xf32> to vector<16xf32>
        %slice3A_303 = vector.extract_strided_slice %get3A_113 {offsets = [9], sizes = [1], strides = [1]} : vector<16xf32> to vector<1xf32>
        %squeeze3A_304 = vector.extract %slice3A_303[0] : f32 from vector<1xf32>
        %broadcast_in_dim3A_305 = vector.broadcast %squeeze3A_304 : f32 to vector<16xf32>
        %sub3A_306 = arith.subf %get3A_302, %get3A_93 : vector<16xf32>
        %mul3A_307 = arith.mulf %broadcast_in_dim3A_305, %get3A_98 : vector<16xf32>
        %sub3A_308 = arith.subf %sub3A_306, %mul3A_307 : vector<16xf32>
        %mul3A_309 = arith.mulf %sub3A_308, %sub3A_308 : vector<16xf32>
        %add3A_310 = arith.addf %add3A_290, %mul3A_309 : vector<16xf32>
        %mul3A_311 = arith.constant 16 : i32
        %mul3A_312 = arith.muli %scan3A_105, %mul3A_311 : i32
        %add3A_313 = arith.constant 10 : i32
        %add3A_314 = arith.addi %mul3A_312, %add3A_313 : i32
        %mul3A_315 = arith.constant 16 : i32
        %mul3A_316 = arith.muli %scan3A_86, %mul3A_315 : i32
        %get3A_317 = arith.constant 0 : i32
        %get3A_318 = arith.index_cast %get3A_317 : i32 to index
        %get3A_319 = arith.index_cast %add3A_314 : i32 to index
        %get3A_320 = arith.index_cast %mul3A_316 : i32 to index
        %get3A_321 = tpu.vector_load %arg6[%get3A_318, %get3A_319, %get3A_320] {strides = array<i32>} : memref<2x64x512xf32, #tpu.memory_space<vmem>>, vector<1x1x16xf32>,
        %get3A_322 = vector.shape_cast %get3A_321 : vector<1x1x16xf32> to vector<16xf32>
        %slice3A_323 = vector.extract_strided_slice %get3A_113 {offsets = [10], sizes = [1], strides = [1]} : vector<16xf32> to vector<1xf32>
        %squeeze3A_324 = vector.extract %slice3A_323[0] : f32 from vector<1xf32>
        %broadcast_in_dim3A_325 = vector.broadcast %squeeze3A_324 : f32 to vector<16xf32>
        %sub3A_326 = arith.subf %get3A_322, %get3A_93 : vector<16xf32>
        %mul3A_327 = arith.mulf %broadcast_in_dim3A_325, %get3A_98 : vector<16xf32>
        %sub3A_328 = arith.subf %sub3A_326, %mul3A_327 : vector<16xf32>
        %mul3A_329 = arith.mulf %sub3A_328, %sub3A_328 : vector<16xf32>
        %add3A_330 = arith.addf %add3A_310, %mul3A_329 : vector<16xf32>
        %mul3A_331 = arith.constant 16 : i32
        %mul3A_332 = arith.muli %scan3A_105, %mul3A_331 : i32
        %add3A_333 = arith.constant 11 : i32
        %add3A_334 = arith.addi %mul3A_332, %add3A_333 : i32
        %mul3A_335 = arith.constant 16 : i32
        %mul3A_336 = arith.muli %scan3A_86, %mul3A_335 : i32
        %get3A_337 = arith.constant 0 : i32
        %get3A_338 = arith.index_cast %get3A_337 : i32 to index
        %get3A_339 = arith.index_cast %add3A_334 : i32 to index
        %get3A_340 = arith.index_cast %mul3A_336 : i32 to index
        %get3A_341 = tpu.vector_load %arg6[%get3A_338, %get3A_339, %get3A_340] {strides = array<i32>} : memref<2x64x512xf32, #tpu.memory_space<vmem>>, vector<1x1x16xf32>,
        %get3A_342 = vector.shape_cast %get3A_341 : vector<1x1x16xf32> to vector<16xf32>
        %slice3A_343 = vector.extract_strided_slice %get3A_113 {offsets = [11], sizes = [1], strides = [1]} : vector<16xf32> to vector<1xf32>
        %squeeze3A_344 = vector.extract %slice3A_343[0] : f32 from vector<1xf32>
        %broadcast_in_dim3A_345 = vector.broadcast %squeeze3A_344 : f32 to vector<16xf32>
        %sub3A_346 = arith.subf %get3A_342, %get3A_93 : vector<16xf32>
        %mul3A_347 = arith.mulf %broadcast_in_dim3A_345, %get3A_98 : vector<16xf32>
        %sub3A_348 = arith.subf %sub3A_346, %mul3A_347 : vector<16xf32>
        %mul3A_349 = arith.mulf %sub3A_348, %sub3A_348 : vector<16xf32>
        %add3A_350 = arith.addf %add3A_330, %mul3A_349 : vector<16xf32>
        %mul3A_351 = arith.constant 16 : i32
        %mul3A_352 = arith.muli %scan3A_105, %mul3A_351 : i32
        %add3A_353 = arith.constant 12 : i32
        %add3A_354 = arith.addi %mul3A_352, %add3A_353 : i32
        %mul3A_355 = arith.constant 16 : i32
        %mul3A_356 = arith.muli %scan3A_86, %mul3A_355 : i32
        %get3A_357 = arith.constant 0 : i32
        %get3A_358 = arith.index_cast %get3A_357 : i32 to index
        %get3A_359 = arith.index_cast %add3A_354 : i32 to index
        %get3A_360 = arith.index_cast %mul3A_356 : i32 to index
        %get3A_361 = tpu.vector_load %arg6[%get3A_358, %get3A_359, %get3A_360] {strides = array<i32>} : memref<2x64x512xf32, #tpu.memory_space<vmem>>, vector<1x1x16xf32>,
        %get3A_362 = vector.shape_cast %get3A_361 : vector<1x1x16xf32> to vector<16xf32>
        %slice3A_363 = vector.extract_strided_slice %get3A_113 {offsets = [12], sizes = [1], strides = [1]} : vector<16xf32> to vector<1xf32>
        %squeeze3A_364 = vector.extract %slice3A_363[0] : f32 from vector<1xf32>
        %broadcast_in_dim3A_365 = vector.broadcast %squeeze3A_364 : f32 to vector<16xf32>
        %sub3A_366 = arith.subf %get3A_362, %get3A_93 : vector<16xf32>
        %mul3A_367 = arith.mulf %broadcast_in_dim3A_365, %get3A_98 : vector<16xf32>
        %sub3A_368 = arith.subf %sub3A_366, %mul3A_367 : vector<16xf32>
        %mul3A_369 = arith.mulf %sub3A_368, %sub3A_368 : vector<16xf32>
        %add3A_370 = arith.addf %add3A_350, %mul3A_369 : vector<16xf32>
        %mul3A_371 = arith.constant 16 : i32
        %mul3A_372 = arith.muli %scan3A_105, %mul3A_371 : i32
        %add3A_373 = arith.constant 13 : i32
        %add3A_374 = arith.addi %mul3A_372, %add3A_373 : i32
        %mul3A_375 = arith.constant 16 : i32
        %mul3A_376 = arith.muli %scan3A_86, %mul3A_375 : i32
        %get3A_377 = arith.constant 0 : i32
        %get3A_378 = arith.index_cast %get3A_377 : i32 to index
        %get3A_379 = arith.index_cast %add3A_374 : i32 to index
        %get3A_380 = arith.index_cast %mul3A_376 : i32 to index
        %get3A_381 = tpu.vector_load %arg6[%get3A_378, %get3A_379, %get3A_380] {strides = array<i32>} : memref<2x64x512xf32, #tpu.memory_space<vmem>>, vector<1x1x16xf32>,
        %get3A_382 = vector.shape_cast %get3A_381 : vector<1x1x16xf32> to vector<16xf32>
        %slice3A_383 = vector.extract_strided_slice %get3A_113 {offsets = [13], sizes = [1], strides = [1]} : vector<16xf32> to vector<1xf32>
        %squeeze3A_384 = vector.extract %slice3A_383[0] : f32 from vector<1xf32>
        %broadcast_in_dim3A_385 = vector.broadcast %squeeze3A_384 : f32 to vector<16xf32>
        %sub3A_386 = arith.subf %get3A_382, %get3A_93 : vector<16xf32>
        %mul3A_387 = arith.mulf %broadcast_in_dim3A_385, %get3A_98 : vector<16xf32>
        %sub3A_388 = arith.subf %sub3A_386, %mul3A_387 : vector<16xf32>
        %mul3A_389 = arith.mulf %sub3A_388, %sub3A_388 : vector<16xf32>
        %add3A_390 = arith.addf %add3A_370, %mul3A_389 : vector<16xf32>
        %mul3A_391 = arith.constant 16 : i32
        %mul3A_392 = arith.muli %scan3A_105, %mul3A_391 : i32
        %add3A_393 = arith.constant 14 : i32
        %add3A_394 = arith.addi %mul3A_392, %add3A_393 : i32
        %mul3A_395 = arith.constant 16 : i32
        %mul3A_396 = arith.muli %scan3A_86, %mul3A_395 : i32
        %get3A_397 = arith.constant 0 : i32
        %get3A_398 = arith.index_cast %get3A_397 : i32 to index
        %get3A_399 = arith.index_cast %add3A_394 : i32 to index
        %get3A_400 = arith.index_cast %mul3A_396 : i32 to index
        %get3A_401 = tpu.vector_load %arg6[%get3A_398, %get3A_399, %get3A_400] {strides = array<i32>} : memref<2x64x512xf32, #tpu.memory_space<vmem>>, vector<1x1x16xf32>,
        %get3A_402 = vector.shape_cast %get3A_401 : vector<1x1x16xf32> to vector<16xf32>
        %slice3A_403 = vector.extract_strided_slice %get3A_113 {offsets = [14], sizes = [1], strides = [1]} : vector<16xf32> to vector<1xf32>
        %squeeze3A_404 = vector.extract %slice3A_403[0] : f32 from vector<1xf32>
        %broadcast_in_dim3A_405 = vector.broadcast %squeeze3A_404 : f32 to vector<16xf32>
        %sub3A_406 = arith.subf %get3A_402, %get3A_93 : vector<16xf32>
        %mul3A_407 = arith.mulf %broadcast_in_dim3A_405, %get3A_98 : vector<16xf32>
        %sub3A_408 = arith.subf %sub3A_406, %mul3A_407 : vector<16xf32>
        %mul3A_409 = arith.mulf %sub3A_408, %sub3A_408 : vector<16xf32>
        %add3A_410 = arith.addf %add3A_390, %mul3A_409 : vector<16xf32>
        %mul3A_411 = arith.constant 16 : i32
        %mul3A_412 = arith.muli %scan3A_105, %mul3A_411 : i32
        %add3A_413 = arith.constant 15 : i32
        %add3A_414 = arith.addi %mul3A_412, %add3A_413 : i32
        %mul3A_415 = arith.constant 16 : i32
        %mul3A_416 = arith.muli %scan3A_86, %mul3A_415 : i32
        %get3A_417 = arith.constant 0 : i32
        %get3A_418 = arith.index_cast %get3A_417 : i32 to index
        %get3A_419 = arith.index_cast %add3A_414 : i32 to index
        %get3A_420 = arith.index_cast %mul3A_416 : i32 to index
        %get3A_421 = tpu.vector_load %arg6[%get3A_418, %get3A_419, %get3A_420] {strides = array<i32>} : memref<2x64x512xf32, #tpu.memory_space<vmem>>, vector<1x1x16xf32>,
        %get3A_422 = vector.shape_cast %get3A_421 : vector<1x1x16xf32> to vector<16xf32>
        %slice3A_423 = vector.extract_strided_slice %get3A_113 {offsets = [15], sizes = [1], strides = [1]} : vector<16xf32> to vector<1xf32>
        %squeeze3A_424 = vector.extract %slice3A_423[0] : f32 from vector<1xf32>
        %broadcast_in_dim3A_425 = vector.broadcast %squeeze3A_424 : f32 to vector<16xf32>
        %sub3A_426 = arith.subf %get3A_422, %get3A_93 : vector<16xf32>
        %mul3A_427 = arith.mulf %broadcast_in_dim3A_425, %get3A_98 : vector<16xf32>
        %sub3A_428 = arith.subf %sub3A_426, %mul3A_427 : vector<16xf32>
        %mul3A_429 = arith.mulf %sub3A_428, %sub3A_428 : vector<16xf32>
        %add3A_430 = arith.addf %add3A_410, %mul3A_429 : vector<16xf32>
        scf.yield %add3A_430 : vector<16xf32>
      }
      %scan3A_104 = arith.constant 4 : i32
      scf.yield %scan3A_103 : vector<16xf32>
    }
    %scan3A_63 = arith.constant 32 : i32
    %dma_wait3A_64 = arith.constant 1 : i32
    %dma_wait3A_65 = arith.constant 0 : i32
    %dma_wait3A_66 = arith.constant 0 : i32
    %dma_wait3A_67 = tpu.memref_slice %arg6[%dma_wait3A_64, %dma_wait3A_65, %dma_wait3A_66] : memref<2x64x512xf32, #tpu.memory_space<vmem>> -> memref<1x64x512xf32, #tpu.memory_space<vmem>>
    %dma_wait3A_68 = tpu.memref_squeeze %dma_wait3A_67 : memref<1x64x512xf32, #tpu.memory_space<vmem>> -> memref<64x512xf32, #tpu.memory_space<vmem>>
    %dma_wait3A_69 = arith.constant 0 : i32
    %dma_wait3A_70 = tpu.memref_slice %arg2[%add3A_32, %dma_wait3A_69] : memref<16384x512xf32, #tpu.memory_space<hbm>> -> memref<64x512xf32, #tpu.memory_space<hbm>>
    %dma_wait3A_71 = arith.constant 0 : i32
    %dma_wait3A_72 = arith.constant 0 : i32
    %dma_wait3A_73 = tpu.memref_slice %arg6[%dma_wait3A_64, %dma_wait3A_71, %dma_wait3A_72] : memref<2x64x512xf32, #tpu.memory_space<vmem>> -> memref<1x64x512xf32, #tpu.memory_space<vmem>>
    %dma_wait3A_74 = tpu.memref_squeeze %dma_wait3A_73 : memref<1x64x512xf32, #tpu.memory_space<vmem>> -> memref<64x512xf32, #tpu.memory_space<vmem>>
    %dma_wait3A_75 = arith.constant 0 : i32
    %dma_wait3A_76 = tpu.memref_slice %arg2[%add3A_32, %dma_wait3A_75] : memref<16384x512xf32, #tpu.memory_space<hbm>> -> memref<64x512xf32, #tpu.memory_space<hbm>>
    tpu.wait_dma2 semaphore(%arg13 : memref<!tpu.dma_semaphore, #tpu.memory_space<semaphore_mem>>) src(%dma_wait3A_76 : memref<64x512xf32, #tpu.memory_space<hbm>>) dst(%dma_wait3A_74 : memref<64x512xf32, #tpu.memory_space<vmem>>)
    %scan3A_77 = arith.constant 0 : i32
    %scan3A_78 = arith.constant 32 : i32
    %scan3A_79 = arith.addi %scan3A_77, %scan3A_78 : i32
    %scan3A_80 = arith.constant 1 : i32
    %scan3A_81 = scf.for %scan3A_86 = %scan3A_77 to %scan3A_79 step %scan3A_80 iter_args(%scan3A_87 = %scan3A_62) -> (vector<16xf32>)  : i32 {
      %mul3A_88 = arith.constant 16 : i32
      %mul3A_89 = arith.muli %scan3A_86, %mul3A_88 : i32
      %get3A = arith.constant 0 : i32
      %get3A_90 = arith.index_cast %get3A : i32 to index
      %get3A_91 = arith.index_cast %mul3A_89 : i32 to index
      %get3A_92 = tpu.vector_load %arg9[%get3A_90, %get3A_91] {strides = array<i32>} : memref<2x512xf32, #tpu.memory_space<vmem>>, vector<1x16xf32>,
      %get3A_93 = vector.shape_cast %get3A_92 : vector<1x16xf32> to vector<16xf32>
      %mul3A_94 = arith.constant 16 : i32
      %mul3A_95 = arith.muli %scan3A_86, %mul3A_94 : i32
      %get3A_96 = arith.index_cast %mul3A_95 : i32 to index
      %get3A_97 = tpu.vector_load %arg10[%get3A_96] {strides = array<i32>} : memref<512xf32, #tpu.memory_space<vmem>>, vector<16xf32>,
      %get3A_98 = vector.shape_cast %get3A_97 : vector<16xf32> to vector<16xf32>
      %scan3A_99 = arith.constant 0 : i32
      %scan3A_100 = arith.constant 4 : i32
      %scan3A_101 = arith.addi %scan3A_99, %scan3A_100 : i32
      %scan3A_102 = arith.constant 1 : i32
      %scan3A_103 = scf.for %scan3A_105 = %scan3A_99 to %scan3A_101 step %scan3A_102 iter_args(%scan3A_106 = %scan3A_87) -> (vector<16xf32>)  : i32 {
        %mul3A_107 = arith.constant 16 : i32
        %mul3A_108 = arith.muli %scan3A_105, %mul3A_107 : i32
        %add3A_109 = arith.constant 64 : i32
        %add3A_110 = arith.addi %add3A_109, %mul3A_108 : i32
        %get3A_111 = arith.index_cast %add3A_110 : i32 to index
        %get3A_112 = tpu.vector_load %arg7[%get3A_111] {strides = array<i32>} : memref<128xf32, #tpu.memory_space<vmem>>, vector<16xf32>,
        %get3A_113 = vector.shape_cast %get3A_112 : vector<16xf32> to vector<16xf32>
        %mul3A_114 = arith.constant 16 : i32
        %mul3A_115 = arith.muli %scan3A_105, %mul3A_114 : i32
        %add3A_116 = arith.constant 0 : i32
        %add3A_117 = arith.addi %mul3A_115, %add3A_116 : i32
        %mul3A_118 = arith.constant 16 : i32
        %mul3A_119 = arith.muli %scan3A_86, %mul3A_118 : i32
        %get3A_120 = arith.constant 1 : i32
        %get3A_121 = arith.index_cast %get3A_120 : i32 to index
        %get3A_122 = arith.index_cast %add3A_117 : i32 to index
        %get3A_123 = arith.index_cast %mul3A_119 : i32 to index
        %get3A_124 = tpu.vector_load %arg6[%get3A_121, %get3A_122, %get3A_123] {strides = array<i32>} : memref<2x64x512xf32, #tpu.memory_space<vmem>>, vector<1x1x16xf32>,
        %get3A_125 = vector.shape_cast %get3A_124 : vector<1x1x16xf32> to vector<16xf32>
        %slice3A = vector.extract_strided_slice %get3A_113 {offsets = [0], sizes = [1], strides = [1]} : vector<16xf32> to vector<1xf32>
        %squeeze3A = vector.extract %slice3A[0] : f32 from vector<1xf32>
        %broadcast_in_dim3A_126 = vector.broadcast %squeeze3A : f32 to vector<16xf32>
        %sub3A = arith.subf %get3A_125, %get3A_93 : vector<16xf32>
        %mul3A_127 = arith.mulf %broadcast_in_dim3A_126, %get3A_98 : vector<16xf32>
        %sub3A_128 = arith.subf %sub3A, %mul3A_127 : vector<16xf32>
        %mul3A_129 = arith.mulf %sub3A_128, %sub3A_128 : vector<16xf32>
        %add3A_130 = arith.addf %scan3A_106, %mul3A_129 : vector<16xf32>
        %mul3A_131 = arith.constant 16 : i32
        %mul3A_132 = arith.muli %scan3A_105, %mul3A_131 : i32
        %add3A_133 = arith.constant 1 : i32
        %add3A_134 = arith.addi %mul3A_132, %add3A_133 : i32
        %mul3A_135 = arith.constant 16 : i32
        %mul3A_136 = arith.muli %scan3A_86, %mul3A_135 : i32
        %get3A_137 = arith.constant 1 : i32
        %get3A_138 = arith.index_cast %get3A_137 : i32 to index
        %get3A_139 = arith.index_cast %add3A_134 : i32 to index
        %get3A_140 = arith.index_cast %mul3A_136 : i32 to index
        %get3A_141 = tpu.vector_load %arg6[%get3A_138, %get3A_139, %get3A_140] {strides = array<i32>} : memref<2x64x512xf32, #tpu.memory_space<vmem>>, vector<1x1x16xf32>,
        %get3A_142 = vector.shape_cast %get3A_141 : vector<1x1x16xf32> to vector<16xf32>
        %slice3A_143 = vector.extract_strided_slice %get3A_113 {offsets = [1], sizes = [1], strides = [1]} : vector<16xf32> to vector<1xf32>
        %squeeze3A_144 = vector.extract %slice3A_143[0] : f32 from vector<1xf32>
        %broadcast_in_dim3A_145 = vector.broadcast %squeeze3A_144 : f32 to vector<16xf32>
        %sub3A_146 = arith.subf %get3A_142, %get3A_93 : vector<16xf32>
        %mul3A_147 = arith.mulf %broadcast_in_dim3A_145, %get3A_98 : vector<16xf32>
        %sub3A_148 = arith.subf %sub3A_146, %mul3A_147 : vector<16xf32>
        %mul3A_149 = arith.mulf %sub3A_148, %sub3A_148 : vector<16xf32>
        %add3A_150 = arith.addf %add3A_130, %mul3A_149 : vector<16xf32>
        %mul3A_151 = arith.constant 16 : i32
        %mul3A_152 = arith.muli %scan3A_105, %mul3A_151 : i32
        %add3A_153 = arith.constant 2 : i32
        %add3A_154 = arith.addi %mul3A_152, %add3A_153 : i32
        %mul3A_155 = arith.constant 16 : i32
        %mul3A_156 = arith.muli %scan3A_86, %mul3A_155 : i32
        %get3A_157 = arith.constant 1 : i32
        %get3A_158 = arith.index_cast %get3A_157 : i32 to index
        %get3A_159 = arith.index_cast %add3A_154 : i32 to index
        %get3A_160 = arith.index_cast %mul3A_156 : i32 to index
        %get3A_161 = tpu.vector_load %arg6[%get3A_158, %get3A_159, %get3A_160] {strides = array<i32>} : memref<2x64x512xf32, #tpu.memory_space<vmem>>, vector<1x1x16xf32>,
        %get3A_162 = vector.shape_cast %get3A_161 : vector<1x1x16xf32> to vector<16xf32>
        %slice3A_163 = vector.extract_strided_slice %get3A_113 {offsets = [2], sizes = [1], strides = [1]} : vector<16xf32> to vector<1xf32>
        %squeeze3A_164 = vector.extract %slice3A_163[0] : f32 from vector<1xf32>
        %broadcast_in_dim3A_165 = vector.broadcast %squeeze3A_164 : f32 to vector<16xf32>
        %sub3A_166 = arith.subf %get3A_162, %get3A_93 : vector<16xf32>
        %mul3A_167 = arith.mulf %broadcast_in_dim3A_165, %get3A_98 : vector<16xf32>
        %sub3A_168 = arith.subf %sub3A_166, %mul3A_167 : vector<16xf32>
        %mul3A_169 = arith.mulf %sub3A_168, %sub3A_168 : vector<16xf32>
        %add3A_170 = arith.addf %add3A_150, %mul3A_169 : vector<16xf32>
        %mul3A_171 = arith.constant 16 : i32
        %mul3A_172 = arith.muli %scan3A_105, %mul3A_171 : i32
        %add3A_173 = arith.constant 3 : i32
        %add3A_174 = arith.addi %mul3A_172, %add3A_173 : i32
        %mul3A_175 = arith.constant 16 : i32
        %mul3A_176 = arith.muli %scan3A_86, %mul3A_175 : i32
        %get3A_177 = arith.constant 1 : i32
        %get3A_178 = arith.index_cast %get3A_177 : i32 to index
        %get3A_179 = arith.index_cast %add3A_174 : i32 to index
        %get3A_180 = arith.index_cast %mul3A_176 : i32 to index
        %get3A_181 = tpu.vector_load %arg6[%get3A_178, %get3A_179, %get3A_180] {strides = array<i32>} : memref<2x64x512xf32, #tpu.memory_space<vmem>>, vector<1x1x16xf32>,
        %get3A_182 = vector.shape_cast %get3A_181 : vector<1x1x16xf32> to vector<16xf32>
        %slice3A_183 = vector.extract_strided_slice %get3A_113 {offsets = [3], sizes = [1], strides = [1]} : vector<16xf32> to vector<1xf32>
        %squeeze3A_184 = vector.extract %slice3A_183[0] : f32 from vector<1xf32>
        %broadcast_in_dim3A_185 = vector.broadcast %squeeze3A_184 : f32 to vector<16xf32>
        %sub3A_186 = arith.subf %get3A_182, %get3A_93 : vector<16xf32>
        %mul3A_187 = arith.mulf %broadcast_in_dim3A_185, %get3A_98 : vector<16xf32>
        %sub3A_188 = arith.subf %sub3A_186, %mul3A_187 : vector<16xf32>
        %mul3A_189 = arith.mulf %sub3A_188, %sub3A_188 : vector<16xf32>
        %add3A_190 = arith.addf %add3A_170, %mul3A_189 : vector<16xf32>
        %mul3A_191 = arith.constant 16 : i32
        %mul3A_192 = arith.muli %scan3A_105, %mul3A_191 : i32
        %add3A_193 = arith.constant 4 : i32
        %add3A_194 = arith.addi %mul3A_192, %add3A_193 : i32
        %mul3A_195 = arith.constant 16 : i32
        %mul3A_196 = arith.muli %scan3A_86, %mul3A_195 : i32
        %get3A_197 = arith.constant 1 : i32
        %get3A_198 = arith.index_cast %get3A_197 : i32 to index
        %get3A_199 = arith.index_cast %add3A_194 : i32 to index
        %get3A_200 = arith.index_cast %mul3A_196 : i32 to index
        %get3A_201 = tpu.vector_load %arg6[%get3A_198, %get3A_199, %get3A_200] {strides = array<i32>} : memref<2x64x512xf32, #tpu.memory_space<vmem>>, vector<1x1x16xf32>,
        %get3A_202 = vector.shape_cast %get3A_201 : vector<1x1x16xf32> to vector<16xf32>
        %slice3A_203 = vector.extract_strided_slice %get3A_113 {offsets = [4], sizes = [1], strides = [1]} : vector<16xf32> to vector<1xf32>
        %squeeze3A_204 = vector.extract %slice3A_203[0] : f32 from vector<1xf32>
        %broadcast_in_dim3A_205 = vector.broadcast %squeeze3A_204 : f32 to vector<16xf32>
        %sub3A_206 = arith.subf %get3A_202, %get3A_93 : vector<16xf32>
        %mul3A_207 = arith.mulf %broadcast_in_dim3A_205, %get3A_98 : vector<16xf32>
        %sub3A_208 = arith.subf %sub3A_206, %mul3A_207 : vector<16xf32>
        %mul3A_209 = arith.mulf %sub3A_208, %sub3A_208 : vector<16xf32>
        %add3A_210 = arith.addf %add3A_190, %mul3A_209 : vector<16xf32>
        %mul3A_211 = arith.constant 16 : i32
        %mul3A_212 = arith.muli %scan3A_105, %mul3A_211 : i32
        %add3A_213 = arith.constant 5 : i32
        %add3A_214 = arith.addi %mul3A_212, %add3A_213 : i32
        %mul3A_215 = arith.constant 16 : i32
        %mul3A_216 = arith.muli %scan3A_86, %mul3A_215 : i32
        %get3A_217 = arith.constant 1 : i32
        %get3A_218 = arith.index_cast %get3A_217 : i32 to index
        %get3A_219 = arith.index_cast %add3A_214 : i32 to index
        %get3A_220 = arith.index_cast %mul3A_216 : i32 to index
        %get3A_221 = tpu.vector_load %arg6[%get3A_218, %get3A_219, %get3A_220] {strides = array<i32>} : memref<2x64x512xf32, #tpu.memory_space<vmem>>, vector<1x1x16xf32>,
        %get3A_222 = vector.shape_cast %get3A_221 : vector<1x1x16xf32> to vector<16xf32>
        %slice3A_223 = vector.extract_strided_slice %get3A_113 {offsets = [5], sizes = [1], strides = [1]} : vector<16xf32> to vector<1xf32>
        %squeeze3A_224 = vector.extract %slice3A_223[0] : f32 from vector<1xf32>
        %broadcast_in_dim3A_225 = vector.broadcast %squeeze3A_224 : f32 to vector<16xf32>
        %sub3A_226 = arith.subf %get3A_222, %get3A_93 : vector<16xf32>
        %mul3A_227 = arith.mulf %broadcast_in_dim3A_225, %get3A_98 : vector<16xf32>
        %sub3A_228 = arith.subf %sub3A_226, %mul3A_227 : vector<16xf32>
        %mul3A_229 = arith.mulf %sub3A_228, %sub3A_228 : vector<16xf32>
        %add3A_230 = arith.addf %add3A_210, %mul3A_229 : vector<16xf32>
        %mul3A_231 = arith.constant 16 : i32
        %mul3A_232 = arith.muli %scan3A_105, %mul3A_231 : i32
        %add3A_233 = arith.constant 6 : i32
        %add3A_234 = arith.addi %mul3A_232, %add3A_233 : i32
        %mul3A_235 = arith.constant 16 : i32
        %mul3A_236 = arith.muli %scan3A_86, %mul3A_235 : i32
        %get3A_237 = arith.constant 1 : i32
        %get3A_238 = arith.index_cast %get3A_237 : i32 to index
        %get3A_239 = arith.index_cast %add3A_234 : i32 to index
        %get3A_240 = arith.index_cast %mul3A_236 : i32 to index
        %get3A_241 = tpu.vector_load %arg6[%get3A_238, %get3A_239, %get3A_240] {strides = array<i32>} : memref<2x64x512xf32, #tpu.memory_space<vmem>>, vector<1x1x16xf32>,
        %get3A_242 = vector.shape_cast %get3A_241 : vector<1x1x16xf32> to vector<16xf32>
        %slice3A_243 = vector.extract_strided_slice %get3A_113 {offsets = [6], sizes = [1], strides = [1]} : vector<16xf32> to vector<1xf32>
        %squeeze3A_244 = vector.extract %slice3A_243[0] : f32 from vector<1xf32>
        %broadcast_in_dim3A_245 = vector.broadcast %squeeze3A_244 : f32 to vector<16xf32>
        %sub3A_246 = arith.subf %get3A_242, %get3A_93 : vector<16xf32>
        %mul3A_247 = arith.mulf %broadcast_in_dim3A_245, %get3A_98 : vector<16xf32>
        %sub3A_248 = arith.subf %sub3A_246, %mul3A_247 : vector<16xf32>
        %mul3A_249 = arith.mulf %sub3A_248, %sub3A_248 : vector<16xf32>
        %add3A_250 = arith.addf %add3A_230, %mul3A_249 : vector<16xf32>
        %mul3A_251 = arith.constant 16 : i32
        %mul3A_252 = arith.muli %scan3A_105, %mul3A_251 : i32
        %add3A_253 = arith.constant 7 : i32
        %add3A_254 = arith.addi %mul3A_252, %add3A_253 : i32
        %mul3A_255 = arith.constant 16 : i32
        %mul3A_256 = arith.muli %scan3A_86, %mul3A_255 : i32
        %get3A_257 = arith.constant 1 : i32
        %get3A_258 = arith.index_cast %get3A_257 : i32 to index
        %get3A_259 = arith.index_cast %add3A_254 : i32 to index
        %get3A_260 = arith.index_cast %mul3A_256 : i32 to index
        %get3A_261 = tpu.vector_load %arg6[%get3A_258, %get3A_259, %get3A_260] {strides = array<i32>} : memref<2x64x512xf32, #tpu.memory_space<vmem>>, vector<1x1x16xf32>,
        %get3A_262 = vector.shape_cast %get3A_261 : vector<1x1x16xf32> to vector<16xf32>
        %slice3A_263 = vector.extract_strided_slice %get3A_113 {offsets = [7], sizes = [1], strides = [1]} : vector<16xf32> to vector<1xf32>
        %squeeze3A_264 = vector.extract %slice3A_263[0] : f32 from vector<1xf32>
        %broadcast_in_dim3A_265 = vector.broadcast %squeeze3A_264 : f32 to vector<16xf32>
        %sub3A_266 = arith.subf %get3A_262, %get3A_93 : vector<16xf32>
        %mul3A_267 = arith.mulf %broadcast_in_dim3A_265, %get3A_98 : vector<16xf32>
        %sub3A_268 = arith.subf %sub3A_266, %mul3A_267 : vector<16xf32>
        %mul3A_269 = arith.mulf %sub3A_268, %sub3A_268 : vector<16xf32>
        %add3A_270 = arith.addf %add3A_250, %mul3A_269 : vector<16xf32>
        %mul3A_271 = arith.constant 16 : i32
        %mul3A_272 = arith.muli %scan3A_105, %mul3A_271 : i32
        %add3A_273 = arith.constant 8 : i32
        %add3A_274 = arith.addi %mul3A_272, %add3A_273 : i32
        %mul3A_275 = arith.constant 16 : i32
        %mul3A_276 = arith.muli %scan3A_86, %mul3A_275 : i32
        %get3A_277 = arith.constant 1 : i32
        %get3A_278 = arith.index_cast %get3A_277 : i32 to index
        %get3A_279 = arith.index_cast %add3A_274 : i32 to index
        %get3A_280 = arith.index_cast %mul3A_276 : i32 to index
        %get3A_281 = tpu.vector_load %arg6[%get3A_278, %get3A_279, %get3A_280] {strides = array<i32>} : memref<2x64x512xf32, #tpu.memory_space<vmem>>, vector<1x1x16xf32>,
        %get3A_282 = vector.shape_cast %get3A_281 : vector<1x1x16xf32> to vector<16xf32>
        %slice3A_283 = vector.extract_strided_slice %get3A_113 {offsets = [8], sizes = [1], strides = [1]} : vector<16xf32> to vector<1xf32>
        %squeeze3A_284 = vector.extract %slice3A_283[0] : f32 from vector<1xf32>
        %broadcast_in_dim3A_285 = vector.broadcast %squeeze3A_284 : f32 to vector<16xf32>
        %sub3A_286 = arith.subf %get3A_282, %get3A_93 : vector<16xf32>
        %mul3A_287 = arith.mulf %broadcast_in_dim3A_285, %get3A_98 : vector<16xf32>
        %sub3A_288 = arith.subf %sub3A_286, %mul3A_287 : vector<16xf32>
        %mul3A_289 = arith.mulf %sub3A_288, %sub3A_288 : vector<16xf32>
        %add3A_290 = arith.addf %add3A_270, %mul3A_289 : vector<16xf32>
        %mul3A_291 = arith.constant 16 : i32
        %mul3A_292 = arith.muli %scan3A_105, %mul3A_291 : i32
        %add3A_293 = arith.constant 9 : i32
        %add3A_294 = arith.addi %mul3A_292, %add3A_293 : i32
        %mul3A_295 = arith.constant 16 : i32
        %mul3A_296 = arith.muli %scan3A_86, %mul3A_295 : i32
        %get3A_297 = arith.constant 1 : i32
        %get3A_298 = arith.index_cast %get3A_297 : i32 to index
        %get3A_299 = arith.index_cast %add3A_294 : i32 to index
        %get3A_300 = arith.index_cast %mul3A_296 : i32 to index
        %get3A_301 = tpu.vector_load %arg6[%get3A_298, %get3A_299, %get3A_300] {strides = array<i32>} : memref<2x64x512xf32, #tpu.memory_space<vmem>>, vector<1x1x16xf32>,
        %get3A_302 = vector.shape_cast %get3A_301 : vector<1x1x16xf32> to vector<16xf32>
        %slice3A_303 = vector.extract_strided_slice %get3A_113 {offsets = [9], sizes = [1], strides = [1]} : vector<16xf32> to vector<1xf32>
        %squeeze3A_304 = vector.extract %slice3A_303[0] : f32 from vector<1xf32>
        %broadcast_in_dim3A_305 = vector.broadcast %squeeze3A_304 : f32 to vector<16xf32>
        %sub3A_306 = arith.subf %get3A_302, %get3A_93 : vector<16xf32>
        %mul3A_307 = arith.mulf %broadcast_in_dim3A_305, %get3A_98 : vector<16xf32>
        %sub3A_308 = arith.subf %sub3A_306, %mul3A_307 : vector<16xf32>
        %mul3A_309 = arith.mulf %sub3A_308, %sub3A_308 : vector<16xf32>
        %add3A_310 = arith.addf %add3A_290, %mul3A_309 : vector<16xf32>
        %mul3A_311 = arith.constant 16 : i32
        %mul3A_312 = arith.muli %scan3A_105, %mul3A_311 : i32
        %add3A_313 = arith.constant 10 : i32
        %add3A_314 = arith.addi %mul3A_312, %add3A_313 : i32
        %mul3A_315 = arith.constant 16 : i32
        %mul3A_316 = arith.muli %scan3A_86, %mul3A_315 : i32
        %get3A_317 = arith.constant 1 : i32
        %get3A_318 = arith.index_cast %get3A_317 : i32 to index
        %get3A_319 = arith.index_cast %add3A_314 : i32 to index
        %get3A_320 = arith.index_cast %mul3A_316 : i32 to index
        %get3A_321 = tpu.vector_load %arg6[%get3A_318, %get3A_319, %get3A_320] {strides = array<i32>} : memref<2x64x512xf32, #tpu.memory_space<vmem>>, vector<1x1x16xf32>,
        %get3A_322 = vector.shape_cast %get3A_321 : vector<1x1x16xf32> to vector<16xf32>
        %slice3A_323 = vector.extract_strided_slice %get3A_113 {offsets = [10], sizes = [1], strides = [1]} : vector<16xf32> to vector<1xf32>
        %squeeze3A_324 = vector.extract %slice3A_323[0] : f32 from vector<1xf32>
        %broadcast_in_dim3A_325 = vector.broadcast %squeeze3A_324 : f32 to vector<16xf32>
        %sub3A_326 = arith.subf %get3A_322, %get3A_93 : vector<16xf32>
        %mul3A_327 = arith.mulf %broadcast_in_dim3A_325, %get3A_98 : vector<16xf32>
        %sub3A_328 = arith.subf %sub3A_326, %mul3A_327 : vector<16xf32>
        %mul3A_329 = arith.mulf %sub3A_328, %sub3A_328 : vector<16xf32>
        %add3A_330 = arith.addf %add3A_310, %mul3A_329 : vector<16xf32>
        %mul3A_331 = arith.constant 16 : i32
        %mul3A_332 = arith.muli %scan3A_105, %mul3A_331 : i32
        %add3A_333 = arith.constant 11 : i32
        %add3A_334 = arith.addi %mul3A_332, %add3A_333 : i32
        %mul3A_335 = arith.constant 16 : i32
        %mul3A_336 = arith.muli %scan3A_86, %mul3A_335 : i32
        %get3A_337 = arith.constant 1 : i32
        %get3A_338 = arith.index_cast %get3A_337 : i32 to index
        %get3A_339 = arith.index_cast %add3A_334 : i32 to index
        %get3A_340 = arith.index_cast %mul3A_336 : i32 to index
        %get3A_341 = tpu.vector_load %arg6[%get3A_338, %get3A_339, %get3A_340] {strides = array<i32>} : memref<2x64x512xf32, #tpu.memory_space<vmem>>, vector<1x1x16xf32>,
        %get3A_342 = vector.shape_cast %get3A_341 : vector<1x1x16xf32> to vector<16xf32>
        %slice3A_343 = vector.extract_strided_slice %get3A_113 {offsets = [11], sizes = [1], strides = [1]} : vector<16xf32> to vector<1xf32>
        %squeeze3A_344 = vector.extract %slice3A_343[0] : f32 from vector<1xf32>
        %broadcast_in_dim3A_345 = vector.broadcast %squeeze3A_344 : f32 to vector<16xf32>
        %sub3A_346 = arith.subf %get3A_342, %get3A_93 : vector<16xf32>
        %mul3A_347 = arith.mulf %broadcast_in_dim3A_345, %get3A_98 : vector<16xf32>
        %sub3A_348 = arith.subf %sub3A_346, %mul3A_347 : vector<16xf32>
        %mul3A_349 = arith.mulf %sub3A_348, %sub3A_348 : vector<16xf32>
        %add3A_350 = arith.addf %add3A_330, %mul3A_349 : vector<16xf32>
        %mul3A_351 = arith.constant 16 : i32
        %mul3A_352 = arith.muli %scan3A_105, %mul3A_351 : i32
        %add3A_353 = arith.constant 12 : i32
        %add3A_354 = arith.addi %mul3A_352, %add3A_353 : i32
        %mul3A_355 = arith.constant 16 : i32
        %mul3A_356 = arith.muli %scan3A_86, %mul3A_355 : i32
        %get3A_357 = arith.constant 1 : i32
        %get3A_358 = arith.index_cast %get3A_357 : i32 to index
        %get3A_359 = arith.index_cast %add3A_354 : i32 to index
        %get3A_360 = arith.index_cast %mul3A_356 : i32 to index
        %get3A_361 = tpu.vector_load %arg6[%get3A_358, %get3A_359, %get3A_360] {strides = array<i32>} : memref<2x64x512xf32, #tpu.memory_space<vmem>>, vector<1x1x16xf32>,
        %get3A_362 = vector.shape_cast %get3A_361 : vector<1x1x16xf32> to vector<16xf32>
        %slice3A_363 = vector.extract_strided_slice %get3A_113 {offsets = [12], sizes = [1], strides = [1]} : vector<16xf32> to vector<1xf32>
        %squeeze3A_364 = vector.extract %slice3A_363[0] : f32 from vector<1xf32>
        %broadcast_in_dim3A_365 = vector.broadcast %squeeze3A_364 : f32 to vector<16xf32>
        %sub3A_366 = arith.subf %get3A_362, %get3A_93 : vector<16xf32>
        %mul3A_367 = arith.mulf %broadcast_in_dim3A_365, %get3A_98 : vector<16xf32>
        %sub3A_368 = arith.subf %sub3A_366, %mul3A_367 : vector<16xf32>
        %mul3A_369 = arith.mulf %sub3A_368, %sub3A_368 : vector<16xf32>
        %add3A_370 = arith.addf %add3A_350, %mul3A_369 : vector<16xf32>
        %mul3A_371 = arith.constant 16 : i32
        %mul3A_372 = arith.muli %scan3A_105, %mul3A_371 : i32
        %add3A_373 = arith.constant 13 : i32
        %add3A_374 = arith.addi %mul3A_372, %add3A_373 : i32
        %mul3A_375 = arith.constant 16 : i32
        %mul3A_376 = arith.muli %scan3A_86, %mul3A_375 : i32
        %get3A_377 = arith.constant 1 : i32
        %get3A_378 = arith.index_cast %get3A_377 : i32 to index
        %get3A_379 = arith.index_cast %add3A_374 : i32 to index
        %get3A_380 = arith.index_cast %mul3A_376 : i32 to index
        %get3A_381 = tpu.vector_load %arg6[%get3A_378, %get3A_379, %get3A_380] {strides = array<i32>} : memref<2x64x512xf32, #tpu.memory_space<vmem>>, vector<1x1x16xf32>,
        %get3A_382 = vector.shape_cast %get3A_381 : vector<1x1x16xf32> to vector<16xf32>
        %slice3A_383 = vector.extract_strided_slice %get3A_113 {offsets = [13], sizes = [1], strides = [1]} : vector<16xf32> to vector<1xf32>
        %squeeze3A_384 = vector.extract %slice3A_383[0] : f32 from vector<1xf32>
        %broadcast_in_dim3A_385 = vector.broadcast %squeeze3A_384 : f32 to vector<16xf32>
        %sub3A_386 = arith.subf %get3A_382, %get3A_93 : vector<16xf32>
        %mul3A_387 = arith.mulf %broadcast_in_dim3A_385, %get3A_98 : vector<16xf32>
        %sub3A_388 = arith.subf %sub3A_386, %mul3A_387 : vector<16xf32>
        %mul3A_389 = arith.mulf %sub3A_388, %sub3A_388 : vector<16xf32>
        %add3A_390 = arith.addf %add3A_370, %mul3A_389 : vector<16xf32>
        %mul3A_391 = arith.constant 16 : i32
        %mul3A_392 = arith.muli %scan3A_105, %mul3A_391 : i32
        %add3A_393 = arith.constant 14 : i32
        %add3A_394 = arith.addi %mul3A_392, %add3A_393 : i32
        %mul3A_395 = arith.constant 16 : i32
        %mul3A_396 = arith.muli %scan3A_86, %mul3A_395 : i32
        %get3A_397 = arith.constant 1 : i32
        %get3A_398 = arith.index_cast %get3A_397 : i32 to index
        %get3A_399 = arith.index_cast %add3A_394 : i32 to index
        %get3A_400 = arith.index_cast %mul3A_396 : i32 to index
        %get3A_401 = tpu.vector_load %arg6[%get3A_398, %get3A_399, %get3A_400] {strides = array<i32>} : memref<2x64x512xf32, #tpu.memory_space<vmem>>, vector<1x1x16xf32>,
        %get3A_402 = vector.shape_cast %get3A_401 : vector<1x1x16xf32> to vector<16xf32>
        %slice3A_403 = vector.extract_strided_slice %get3A_113 {offsets = [14], sizes = [1], strides = [1]} : vector<16xf32> to vector<1xf32>
        %squeeze3A_404 = vector.extract %slice3A_403[0] : f32 from vector<1xf32>
        %broadcast_in_dim3A_405 = vector.broadcast %squeeze3A_404 : f32 to vector<16xf32>
        %sub3A_406 = arith.subf %get3A_402, %get3A_93 : vector<16xf32>
        %mul3A_407 = arith.mulf %broadcast_in_dim3A_405, %get3A_98 : vector<16xf32>
        %sub3A_408 = arith.subf %sub3A_406, %mul3A_407 : vector<16xf32>
        %mul3A_409 = arith.mulf %sub3A_408, %sub3A_408 : vector<16xf32>
        %add3A_410 = arith.addf %add3A_390, %mul3A_409 : vector<16xf32>
        %mul3A_411 = arith.constant 16 : i32
        %mul3A_412 = arith.muli %scan3A_105, %mul3A_411 : i32
        %add3A_413 = arith.constant 15 : i32
        %add3A_414 = arith.addi %mul3A_412, %add3A_413 : i32
        %mul3A_415 = arith.constant 16 : i32
        %mul3A_416 = arith.muli %scan3A_86, %mul3A_415 : i32
        %get3A_417 = arith.constant 1 : i32
        %get3A_418 = arith.index_cast %get3A_417 : i32 to index
        %get3A_419 = arith.index_cast %add3A_414 : i32 to index
        %get3A_420 = arith.index_cast %mul3A_416 : i32 to index
        %get3A_421 = tpu.vector_load %arg6[%get3A_418, %get3A_419, %get3A_420] {strides = array<i32>} : memref<2x64x512xf32, #tpu.memory_space<vmem>>, vector<1x1x16xf32>,
        %get3A_422 = vector.shape_cast %get3A_421 : vector<1x1x16xf32> to vector<16xf32>
        %slice3A_423 = vector.extract_strided_slice %get3A_113 {offsets = [15], sizes = [1], strides = [1]} : vector<16xf32> to vector<1xf32>
        %squeeze3A_424 = vector.extract %slice3A_423[0] : f32 from vector<1xf32>
        %broadcast_in_dim3A_425 = vector.broadcast %squeeze3A_424 : f32 to vector<16xf32>
        %sub3A_426 = arith.subf %get3A_422, %get3A_93 : vector<16xf32>
        %mul3A_427 = arith.mulf %broadcast_in_dim3A_425, %get3A_98 : vector<16xf32>
        %sub3A_428 = arith.subf %sub3A_426, %mul3A_427 : vector<16xf32>
        %mul3A_429 = arith.mulf %sub3A_428, %sub3A_428 : vector<16xf32>
        %add3A_430 = arith.addf %add3A_410, %mul3A_429 : vector<16xf32>
        scf.yield %add3A_430 : vector<16xf32>
      }
      %scan3A_104 = arith.constant 4 : i32
      scf.yield %scan3A_103 : vector<16xf32>
    }
    %scan3A_82 = arith.constant 32 : i32
    %swap3A = arith.constant 0 : index
    %swap3A_83 = tpu.vector_load %arg11[%swap3A] {strides = array<i32>} : memref<16xf32, #tpu.memory_space<vmem>>, vector<16xf32>,
    %swap3A_84 = vector.shape_cast %swap3A_83 : vector<16xf32> to vector<16xf32>
    %swap3A_85 = vector.shape_cast %scan3A_81 : vector<16xf32> to vector<16xf32>
    tpu.vector_store %arg11[%swap3A], %swap3A_85 {strides = array<i32>} : memref<16xf32, #tpu.memory_space<vmem>>, vector<16xf32>,
    "tpu.region"() ({
      %run_scoped3A = tpu.sem_alloc : memref<!tpu.dma_semaphore, #tpu.memory_space<semaphore_mem>>
      %dma_start3A_86 = arith.constant 0 : i32
      %dma_start3A_87 = tpu.memref_slice %arg5[%add3A, %dma_start3A_86] : memref<32x16xf32, #tpu.memory_space<hbm>> -> memref<1x16xf32, #tpu.memory_space<hbm>>
      %dma_start3A_88 = tpu.memref_squeeze %dma_start3A_87 : memref<1x16xf32, #tpu.memory_space<hbm>> -> memref<16xf32, #tpu.memory_space<hbm>>
      %dma_start3A_89 = arith.constant 0 : i32
      %dma_start3A_90 = tpu.memref_slice %arg5[%add3A, %dma_start3A_89] : memref<32x16xf32, #tpu.memory_space<hbm>> -> memref<1x16xf32, #tpu.memory_space<hbm>>
      %dma_start3A_91 = tpu.memref_squeeze %dma_start3A_90 : memref<1x16xf32, #tpu.memory_space<hbm>> -> memref<16xf32, #tpu.memory_space<hbm>>
      tpu.enqueue_dma source(%arg11 : memref<16xf32, #tpu.memory_space<vmem>>) target(%dma_start3A_91 : memref<16xf32, #tpu.memory_space<hbm>>) target_semaphore(%run_scoped3A : memref<!tpu.dma_semaphore, #tpu.memory_space<semaphore_mem>>)
      %dma_wait3A_92 = arith.constant 0 : i32
      %dma_wait3A_93 = tpu.memref_slice %arg5[%add3A, %dma_wait3A_92] : memref<32x16xf32, #tpu.memory_space<hbm>> -> memref<1x16xf32, #tpu.memory_space<hbm>>
      %dma_wait3A_94 = tpu.memref_squeeze %dma_wait3A_93 : memref<1x16xf32, #tpu.memory_space<hbm>> -> memref<16xf32, #tpu.memory_space<hbm>>
      %dma_wait3A_95 = arith.constant 0 : i32
      %dma_wait3A_96 = tpu.memref_slice %arg5[%add3A, %dma_wait3A_95] : memref<32x16xf32, #tpu.memory_space<hbm>> -> memref<1x16xf32, #tpu.memory_space<hbm>>
      %dma_wait3A_97 = tpu.memref_squeeze %dma_wait3A_96 : memref<1x16xf32, #tpu.memory_space<hbm>> -> memref<16xf32, #tpu.memory_space<hbm>>
      tpu.wait_dma2 semaphore(%run_scoped3A : memref<!tpu.dma_semaphore, #tpu.memory_space<semaphore_mem>>) src(%arg11 : memref<16xf32, #tpu.memory_space<vmem>>) dst(%dma_wait3A_97 : memref<16xf32, #tpu.memory_space<hbm>>)
      tpu.yield
    }) : () -> ()
    return
  }
}

module attributes {stable_mosaic.version = 14 : i64} {
  func.func @_tc_body(%arg0: i32, %arg1: memref<1024x512xf32, #tpu.memory_space<vmem>>, %arg2: memref<1x8x128xi32, #tpu.memory_space<vmem>>, %arg3: memref<8x512xf32, #tpu.memory_space<vmem>>, %arg4: memref<8x512xf32, #tpu.memory_space<vmem>>) attributes {dimension_semantics = [#tpu.dimension_semantics<arbitrary>], iteration_bounds = array<i64: 12>, scalar_prefetch = 0 : i64, scratch_operands = 0 : i64, tpu.core_type = #tpu.core_type<tc>, window_params = [{transform_indices = @transform_0, window_bounds = array<i64: 1024, 512>}, {transform_indices = @transform_1, window_bounds = array<i64: 1, 8, 128>}, {pipeline_mode = #tpu.pipeline_mode<synchronous>, transform_indices = @transform_2, window_bounds = array<i64: 8, 512>}, {pipeline_mode = #tpu.pipeline_mode<synchronous>, transform_indices = @transform_3, window_bounds = array<i64: 8, 512>}]} {
    %eq3A = arith.constant 0 : i32
    %eq3A_0 = arith.cmpi eq, %arg0, %eq3A : i32
    %convert_element_type3A = arith.extui %eq3A_0 : i1 to i32
    %cond3A = arith.constant 0 : i32
    %cond3A_1 = arith.cmpi ne, %convert_element_type3A, %cond3A : i32
    scf.if %cond3A_1 {
      %broadcast_in_dim3A_133 = arith.constant 0.000000e+00 : f32
      %broadcast_in_dim3A_134 = vector.broadcast %broadcast_in_dim3A_133 : f32 to vector<8x512xf32>
      %swap3A_135 = arith.constant 0 : index
      %swap3A_136 = arith.constant 0 : index
      %swap3A_137 = vector.load %arg4[%swap3A_135, %swap3A_136] : memref<8x512xf32, #tpu.memory_space<vmem>>, vector<8x512xf32>
      tpu.vector_store %arg4[%swap3A_135, %swap3A_136], %broadcast_in_dim3A_134 {strides = array<i32>} : memref<8x512xf32, #tpu.memory_space<vmem>>, vector<8x512xf32>,
    } else {
    }
    %get3A = arith.constant 0 : index
    %get3A_2 = arith.constant 0 : index
    %get3A_3 = arith.constant 0 : index
    %get3A_4 = vector.load %arg2[%get3A, %get3A_2, %get3A_3] : memref<1x8x128xi32, #tpu.memory_space<vmem>>, vector<1x8x128xi32>
    %get3A_5 = vector.shape_cast %get3A_4 : vector<1x8x128xi32> to vector<8x128xi32>
    %sub3A = arith.constant 30 : i32
    %sub3A_6 = vector.broadcast %sub3A : i32 to vector<8x128xi32>
    %sub3A_7 = arith.subi %get3A_5, %sub3A_6 : vector<8x128xi32>
    %abs3A = math.absi %sub3A_7 : vector<8x128xi32>
    %sub3A_8 = arith.constant 60 : i32
    %sub3A_9 = vector.broadcast %sub3A_8 : i32 to vector<8x128xi32>
    %sub3A_10 = arith.subi %get3A_5, %sub3A_9 : vector<8x128xi32>
    %abs3A_11 = math.absi %sub3A_10 : vector<8x128xi32>
    %lt3A = arith.cmpi slt, %abs3A_11, %abs3A : vector<8x128xi32>
    %jit3A = arith.constant 1.000000e+00 : f32
    %jit3A_12 = arith.constant 0.000000e+00 : f32
    %broadcast_in_dim3A = vector.broadcast %jit3A : f32 to vector<8x128xf32>
    %broadcast_in_dim3A_13 = vector.broadcast %jit3A_12 : f32 to vector<8x128xf32>
    %select_n3A = arith.select %lt3A, %broadcast_in_dim3A, %broadcast_in_dim3A_13 : vector<8x128xi1>, vector<8x128xf32>
    %reduce_sum3A = vector.shape_cast %select_n3A : vector<8x128xf32> to vector<1x8x128xf32>
    %reduce_sum3A_14 = arith.constant dense<0.000000e+00> : vector<1xf32>
    %reduce_sum3A_15 = vector.multi_reduction <add>, %reduce_sum3A, %reduce_sum3A_14 [1, 2] : vector<1x8x128xf32> to vector<1xf32>
    %reduce_sum3A_16 = vector.shape_cast %reduce_sum3A_15 : vector<1xf32> to vector<1x1x1xf32>
    %reduce_sum3A_17 = vector.extract %reduce_sum3A_16[0, 0, 0] : f32 from vector<1x1x1xf32>
    %broadcast_in_dim3A_18 = arith.constant 1.000000e+00 : f32
    %broadcast_in_dim3A_19 = vector.broadcast %broadcast_in_dim3A_18 : f32 to vector<1x128xf32>
    %broadcast_in_dim3A_20 = arith.constant 0.000000e+00 : f32
    %broadcast_in_dim3A_21 = vector.broadcast %broadcast_in_dim3A_20 : f32 to vector<6x128xf32>
    %broadcast_in_dim3A_22 = arith.constant 0.000000e+00 : f32
    %broadcast_in_dim3A_23 = vector.broadcast %broadcast_in_dim3A_22 : f32 to vector<8x512xf32>
    %broadcast_in_dim3A_24 = arith.constant 0.000000e+00 : f32
    %broadcast_in_dim3A_25 = vector.broadcast %broadcast_in_dim3A_24 : f32 to vector<1x512xf32>
    %get3A_26 = arith.constant 0 : index
    %get3A_27 = arith.constant 0 : index
    %get3A_28 = vector.load %arg1[%get3A_26, %get3A_27] : memref<1024x512xf32, #tpu.memory_space<vmem>>, vector<128x512xf32>
    %slice3A = vector.extract_strided_slice %select_n3A {offsets = [0, 0], sizes = [1, 128], strides = [1, 1]} : vector<8x128xf32> to vector<1x128xf32>
    %concatenate3A = tpu.concatenate %broadcast_in_dim3A_19, %slice3A, %broadcast_in_dim3A_21 in 0 : vector<1x128xf32>, vector<1x128xf32>, vector<6x128xf32> -> vector<8x128xf32>
    %dot_general3A = arith.constant dense<0.000000e+00> : vector<8x512xf32>
    %dot_general3A_29 = tpu.matmul %concatenate3A, %get3A_28, %dot_general3A {dimension_numbers = #tpu.dot_dimension_numbers<[1], [0], [0], [1], [0, 0, 1, 1], [], []>, transpose_lhs_hint = false} : vector<8x128xf32>, vector<128x512xf32>, vector<8x512xf32> -> vector<8x512xf32>
    %add3A = arith.addf %broadcast_in_dim3A_23, %dot_general3A_29 : vector<8x512xf32>
    %mul3A = arith.mulf %get3A_28, %get3A_28 : vector<128x512xf32>
    %dot_general3A_30 = arith.constant dense<0.000000e+00> : vector<1x512xf32>
    %dot_general3A_31 = tpu.matmul %broadcast_in_dim3A_19, %mul3A, %dot_general3A_30 {dimension_numbers = #tpu.dot_dimension_numbers<[1], [0], [0], [1], [0, 0, 1, 1], [], []>, transpose_lhs_hint = false} : vector<1x128xf32>, vector<128x512xf32>, vector<1x512xf32> -> vector<1x512xf32>
    %add3A_32 = arith.addf %broadcast_in_dim3A_25, %dot_general3A_31 : vector<1x512xf32>
    %get3A_33 = arith.constant 128 : index
    %get3A_34 = arith.constant 0 : index
    %get3A_35 = vector.load %arg1[%get3A_33, %get3A_34] : memref<1024x512xf32, #tpu.memory_space<vmem>>, vector<128x512xf32>
    %slice3A_36 = vector.extract_strided_slice %select_n3A {offsets = [1, 0], sizes = [1, 128], strides = [1, 1]} : vector<8x128xf32> to vector<1x128xf32>
    %concatenate3A_37 = tpu.concatenate %broadcast_in_dim3A_19, %slice3A_36, %broadcast_in_dim3A_21 in 0 : vector<1x128xf32>, vector<1x128xf32>, vector<6x128xf32> -> vector<8x128xf32>
    %dot_general3A_38 = arith.constant dense<0.000000e+00> : vector<8x512xf32>
    %dot_general3A_39 = tpu.matmul %concatenate3A_37, %get3A_35, %dot_general3A_38 {dimension_numbers = #tpu.dot_dimension_numbers<[1], [0], [0], [1], [0, 0, 1, 1], [], []>, transpose_lhs_hint = false} : vector<8x128xf32>, vector<128x512xf32>, vector<8x512xf32> -> vector<8x512xf32>
    %add3A_40 = arith.addf %add3A, %dot_general3A_39 : vector<8x512xf32>
    %mul3A_41 = arith.mulf %get3A_35, %get3A_35 : vector<128x512xf32>
    %dot_general3A_42 = arith.constant dense<0.000000e+00> : vector<1x512xf32>
    %dot_general3A_43 = tpu.matmul %broadcast_in_dim3A_19, %mul3A_41, %dot_general3A_42 {dimension_numbers = #tpu.dot_dimension_numbers<[1], [0], [0], [1], [0, 0, 1, 1], [], []>, transpose_lhs_hint = false} : vector<1x128xf32>, vector<128x512xf32>, vector<1x512xf32> -> vector<1x512xf32>
    %add3A_44 = arith.addf %add3A_32, %dot_general3A_43 : vector<1x512xf32>
    %get3A_45 = arith.constant 256 : index
    %get3A_46 = arith.constant 0 : index
    %get3A_47 = vector.load %arg1[%get3A_45, %get3A_46] : memref<1024x512xf32, #tpu.memory_space<vmem>>, vector<128x512xf32>
    %slice3A_48 = vector.extract_strided_slice %select_n3A {offsets = [2, 0], sizes = [1, 128], strides = [1, 1]} : vector<8x128xf32> to vector<1x128xf32>
    %concatenate3A_49 = tpu.concatenate %broadcast_in_dim3A_19, %slice3A_48, %broadcast_in_dim3A_21 in 0 : vector<1x128xf32>, vector<1x128xf32>, vector<6x128xf32> -> vector<8x128xf32>
    %dot_general3A_50 = arith.constant dense<0.000000e+00> : vector<8x512xf32>
    %dot_general3A_51 = tpu.matmul %concatenate3A_49, %get3A_47, %dot_general3A_50 {dimension_numbers = #tpu.dot_dimension_numbers<[1], [0], [0], [1], [0, 0, 1, 1], [], []>, transpose_lhs_hint = false} : vector<8x128xf32>, vector<128x512xf32>, vector<8x512xf32> -> vector<8x512xf32>
    %add3A_52 = arith.addf %add3A_40, %dot_general3A_51 : vector<8x512xf32>
    %mul3A_53 = arith.mulf %get3A_47, %get3A_47 : vector<128x512xf32>
    %dot_general3A_54 = arith.constant dense<0.000000e+00> : vector<1x512xf32>
    %dot_general3A_55 = tpu.matmul %broadcast_in_dim3A_19, %mul3A_53, %dot_general3A_54 {dimension_numbers = #tpu.dot_dimension_numbers<[1], [0], [0], [1], [0, 0, 1, 1], [], []>, transpose_lhs_hint = false} : vector<1x128xf32>, vector<128x512xf32>, vector<1x512xf32> -> vector<1x512xf32>
    %add3A_56 = arith.addf %add3A_44, %dot_general3A_55 : vector<1x512xf32>
    %get3A_57 = arith.constant 384 : index
    %get3A_58 = arith.constant 0 : index
    %get3A_59 = vector.load %arg1[%get3A_57, %get3A_58] : memref<1024x512xf32, #tpu.memory_space<vmem>>, vector<128x512xf32>
    %slice3A_60 = vector.extract_strided_slice %select_n3A {offsets = [3, 0], sizes = [1, 128], strides = [1, 1]} : vector<8x128xf32> to vector<1x128xf32>
    %concatenate3A_61 = tpu.concatenate %broadcast_in_dim3A_19, %slice3A_60, %broadcast_in_dim3A_21 in 0 : vector<1x128xf32>, vector<1x128xf32>, vector<6x128xf32> -> vector<8x128xf32>
    %dot_general3A_62 = arith.constant dense<0.000000e+00> : vector<8x512xf32>
    %dot_general3A_63 = tpu.matmul %concatenate3A_61, %get3A_59, %dot_general3A_62 {dimension_numbers = #tpu.dot_dimension_numbers<[1], [0], [0], [1], [0, 0, 1, 1], [], []>, transpose_lhs_hint = false} : vector<8x128xf32>, vector<128x512xf32>, vector<8x512xf32> -> vector<8x512xf32>
    %add3A_64 = arith.addf %add3A_52, %dot_general3A_63 : vector<8x512xf32>
    %mul3A_65 = arith.mulf %get3A_59, %get3A_59 : vector<128x512xf32>
    %dot_general3A_66 = arith.constant dense<0.000000e+00> : vector<1x512xf32>
    %dot_general3A_67 = tpu.matmul %broadcast_in_dim3A_19, %mul3A_65, %dot_general3A_66 {dimension_numbers = #tpu.dot_dimension_numbers<[1], [0], [0], [1], [0, 0, 1, 1], [], []>, transpose_lhs_hint = false} : vector<1x128xf32>, vector<128x512xf32>, vector<1x512xf32> -> vector<1x512xf32>
    %add3A_68 = arith.addf %add3A_56, %dot_general3A_67 : vector<1x512xf32>
    %get3A_69 = arith.constant 512 : index
    %get3A_70 = arith.constant 0 : index
    %get3A_71 = vector.load %arg1[%get3A_69, %get3A_70] : memref<1024x512xf32, #tpu.memory_space<vmem>>, vector<128x512xf32>
    %slice3A_72 = vector.extract_strided_slice %select_n3A {offsets = [4, 0], sizes = [1, 128], strides = [1, 1]} : vector<8x128xf32> to vector<1x128xf32>
    %concatenate3A_73 = tpu.concatenate %broadcast_in_dim3A_19, %slice3A_72, %broadcast_in_dim3A_21 in 0 : vector<1x128xf32>, vector<1x128xf32>, vector<6x128xf32> -> vector<8x128xf32>
    %dot_general3A_74 = arith.constant dense<0.000000e+00> : vector<8x512xf32>
    %dot_general3A_75 = tpu.matmul %concatenate3A_73, %get3A_71, %dot_general3A_74 {dimension_numbers = #tpu.dot_dimension_numbers<[1], [0], [0], [1], [0, 0, 1, 1], [], []>, transpose_lhs_hint = false} : vector<8x128xf32>, vector<128x512xf32>, vector<8x512xf32> -> vector<8x512xf32>
    %add3A_76 = arith.addf %add3A_64, %dot_general3A_75 : vector<8x512xf32>
    %mul3A_77 = arith.mulf %get3A_71, %get3A_71 : vector<128x512xf32>
    %dot_general3A_78 = arith.constant dense<0.000000e+00> : vector<1x512xf32>
    %dot_general3A_79 = tpu.matmul %broadcast_in_dim3A_19, %mul3A_77, %dot_general3A_78 {dimension_numbers = #tpu.dot_dimension_numbers<[1], [0], [0], [1], [0, 0, 1, 1], [], []>, transpose_lhs_hint = false} : vector<1x128xf32>, vector<128x512xf32>, vector<1x512xf32> -> vector<1x512xf32>
    %add3A_80 = arith.addf %add3A_68, %dot_general3A_79 : vector<1x512xf32>
    %get3A_81 = arith.constant 640 : index
    %get3A_82 = arith.constant 0 : index
    %get3A_83 = vector.load %arg1[%get3A_81, %get3A_82] : memref<1024x512xf32, #tpu.memory_space<vmem>>, vector<128x512xf32>
    %slice3A_84 = vector.extract_strided_slice %select_n3A {offsets = [5, 0], sizes = [1, 128], strides = [1, 1]} : vector<8x128xf32> to vector<1x128xf32>
    %concatenate3A_85 = tpu.concatenate %broadcast_in_dim3A_19, %slice3A_84, %broadcast_in_dim3A_21 in 0 : vector<1x128xf32>, vector<1x128xf32>, vector<6x128xf32> -> vector<8x128xf32>
    %dot_general3A_86 = arith.constant dense<0.000000e+00> : vector<8x512xf32>
    %dot_general3A_87 = tpu.matmul %concatenate3A_85, %get3A_83, %dot_general3A_86 {dimension_numbers = #tpu.dot_dimension_numbers<[1], [0], [0], [1], [0, 0, 1, 1], [], []>, transpose_lhs_hint = false} : vector<8x128xf32>, vector<128x512xf32>, vector<8x512xf32> -> vector<8x512xf32>
    %add3A_88 = arith.addf %add3A_76, %dot_general3A_87 : vector<8x512xf32>
    %mul3A_89 = arith.mulf %get3A_83, %get3A_83 : vector<128x512xf32>
    %dot_general3A_90 = arith.constant dense<0.000000e+00> : vector<1x512xf32>
    %dot_general3A_91 = tpu.matmul %broadcast_in_dim3A_19, %mul3A_89, %dot_general3A_90 {dimension_numbers = #tpu.dot_dimension_numbers<[1], [0], [0], [1], [0, 0, 1, 1], [], []>, transpose_lhs_hint = false} : vector<1x128xf32>, vector<128x512xf32>, vector<1x512xf32> -> vector<1x512xf32>
    %add3A_92 = arith.addf %add3A_80, %dot_general3A_91 : vector<1x512xf32>
    %get3A_93 = arith.constant 768 : index
    %get3A_94 = arith.constant 0 : index
    %get3A_95 = vector.load %arg1[%get3A_93, %get3A_94] : memref<1024x512xf32, #tpu.memory_space<vmem>>, vector<128x512xf32>
    %slice3A_96 = vector.extract_strided_slice %select_n3A {offsets = [6, 0], sizes = [1, 128], strides = [1, 1]} : vector<8x128xf32> to vector<1x128xf32>
    %concatenate3A_97 = tpu.concatenate %broadcast_in_dim3A_19, %slice3A_96, %broadcast_in_dim3A_21 in 0 : vector<1x128xf32>, vector<1x128xf32>, vector<6x128xf32> -> vector<8x128xf32>
    %dot_general3A_98 = arith.constant dense<0.000000e+00> : vector<8x512xf32>
    %dot_general3A_99 = tpu.matmul %concatenate3A_97, %get3A_95, %dot_general3A_98 {dimension_numbers = #tpu.dot_dimension_numbers<[1], [0], [0], [1], [0, 0, 1, 1], [], []>, transpose_lhs_hint = false} : vector<8x128xf32>, vector<128x512xf32>, vector<8x512xf32> -> vector<8x512xf32>
    %add3A_100 = arith.addf %add3A_88, %dot_general3A_99 : vector<8x512xf32>
    %mul3A_101 = arith.mulf %get3A_95, %get3A_95 : vector<128x512xf32>
    %dot_general3A_102 = arith.constant dense<0.000000e+00> : vector<1x512xf32>
    %dot_general3A_103 = tpu.matmul %broadcast_in_dim3A_19, %mul3A_101, %dot_general3A_102 {dimension_numbers = #tpu.dot_dimension_numbers<[1], [0], [0], [1], [0, 0, 1, 1], [], []>, transpose_lhs_hint = false} : vector<1x128xf32>, vector<128x512xf32>, vector<1x512xf32> -> vector<1x512xf32>
    %add3A_104 = arith.addf %add3A_92, %dot_general3A_103 : vector<1x512xf32>
    %get3A_105 = arith.constant 896 : index
    %get3A_106 = arith.constant 0 : index
    %get3A_107 = vector.load %arg1[%get3A_105, %get3A_106] : memref<1024x512xf32, #tpu.memory_space<vmem>>, vector<128x512xf32>
    %slice3A_108 = vector.extract_strided_slice %select_n3A {offsets = [7, 0], sizes = [1, 128], strides = [1, 1]} : vector<8x128xf32> to vector<1x128xf32>
    %concatenate3A_109 = tpu.concatenate %broadcast_in_dim3A_19, %slice3A_108, %broadcast_in_dim3A_21 in 0 : vector<1x128xf32>, vector<1x128xf32>, vector<6x128xf32> -> vector<8x128xf32>
    %dot_general3A_110 = arith.constant dense<0.000000e+00> : vector<8x512xf32>
    %dot_general3A_111 = tpu.matmul %concatenate3A_109, %get3A_107, %dot_general3A_110 {dimension_numbers = #tpu.dot_dimension_numbers<[1], [0], [0], [1], [0, 0, 1, 1], [], []>, transpose_lhs_hint = false} : vector<8x128xf32>, vector<128x512xf32>, vector<8x512xf32> -> vector<8x512xf32>
    %add3A_112 = arith.addf %add3A_100, %dot_general3A_111 : vector<8x512xf32>
    %mul3A_113 = arith.mulf %get3A_107, %get3A_107 : vector<128x512xf32>
    %dot_general3A_114 = arith.constant dense<0.000000e+00> : vector<1x512xf32>
    %dot_general3A_115 = tpu.matmul %broadcast_in_dim3A_19, %mul3A_113, %dot_general3A_114 {dimension_numbers = #tpu.dot_dimension_numbers<[1], [0], [0], [1], [0, 0, 1, 1], [], []>, transpose_lhs_hint = false} : vector<1x128xf32>, vector<128x512xf32>, vector<1x512xf32> -> vector<1x512xf32>
    %add3A_116 = arith.addf %add3A_104, %dot_general3A_115 : vector<1x512xf32>
    %slice3A_117 = vector.extract_strided_slice %add3A_112 {offsets = [0, 0], sizes = [2, 512], strides = [1, 1]} : vector<8x512xf32> to vector<2x512xf32>
    %broadcast_in_dim3A_118 = vector.broadcast %reduce_sum3A_17 : f32 to vector<1x512xf32>
    %broadcast_in_dim3A_119 = arith.constant 0.000000e+00 : f32
    %broadcast_in_dim3A_120 = vector.broadcast %broadcast_in_dim3A_119 : f32 to vector<4x512xf32>
    %concatenate3A_121 = tpu.concatenate %add3A_116, %slice3A_117, %broadcast_in_dim3A_118, %broadcast_in_dim3A_120 in 0 : vector<1x512xf32>, vector<2x512xf32>, vector<1x512xf32>, vector<4x512xf32> -> vector<8x512xf32>
    %get3A_122 = arith.constant 0 : index
    %get3A_123 = arith.constant 0 : index
    %get3A_124 = vector.load %arg4[%get3A_122, %get3A_123] : memref<8x512xf32, #tpu.memory_space<vmem>>, vector<8x512xf32>
    %add3A_125 = arith.addf %get3A_124, %concatenate3A_121 : vector<8x512xf32>
    %swap3A = arith.constant 0 : index
    %swap3A_126 = arith.constant 0 : index
    %swap3A_127 = vector.load %arg4[%swap3A, %swap3A_126] : memref<8x512xf32, #tpu.memory_space<vmem>>, vector<8x512xf32>
    tpu.vector_store %arg4[%swap3A, %swap3A_126], %add3A_125 {strides = array<i32>} : memref<8x512xf32, #tpu.memory_space<vmem>>, vector<8x512xf32>,
    %eq3A_128 = arith.constant 11 : i32
    %eq3A_129 = arith.cmpi eq, %arg0, %eq3A_128 : i32
    %convert_element_type3A_130 = arith.extui %eq3A_129 : i1 to i32
    %cond3A_131 = arith.constant 0 : i32
    %cond3A_132 = arith.cmpi ne, %convert_element_type3A_130, %cond3A_131 : i32
    scf.if %cond3A_132 {
      %get3A_133 = arith.constant 0 : index
      %get3A_134 = arith.constant 0 : index
      %get3A_135 = vector.load %arg4[%get3A_133, %get3A_134] : memref<8x512xf32, #tpu.memory_space<vmem>>, vector<8x512xf32>
      %get3A_136 = arith.constant 0 : index
      %get3A_137 = arith.constant 0 : index
      %get3A_138 = vector.load %arg3[%get3A_136, %get3A_137] : memref<8x512xf32, #tpu.memory_space<vmem>>, vector<1x512xf32>
      %get3A_139 = arith.constant 1 : index
      %get3A_140 = arith.constant 0 : index
      %get3A_141 = vector.load %arg3[%get3A_139, %get3A_140] : memref<8x512xf32, #tpu.memory_space<vmem>>, vector<1x512xf32>
      %slice3A_142 = vector.extract_strided_slice %get3A_135 {offsets = [0, 0], sizes = [1, 512], strides = [1, 1]} : vector<8x512xf32> to vector<1x512xf32>
      %reduce_sum3A_143 = vector.shape_cast %slice3A_142 : vector<1x512xf32> to vector<1x1x512xf32>
      %reduce_sum3A_144 = arith.constant dense<0.000000e+00> : vector<1xf32>
      %reduce_sum3A_145 = vector.multi_reduction <add>, %reduce_sum3A_143, %reduce_sum3A_144 [1, 2] : vector<1x1x512xf32> to vector<1xf32>
      %reduce_sum3A_146 = vector.shape_cast %reduce_sum3A_145 : vector<1xf32> to vector<1x1x1xf32>
      %reduce_sum3A_147 = vector.extract %reduce_sum3A_146[0, 0, 0] : f32 from vector<1x1x1xf32>
      %slice3A_148 = vector.extract_strided_slice %get3A_135 {offsets = [1, 0], sizes = [1, 512], strides = [1, 1]} : vector<8x512xf32> to vector<1x512xf32>
      %slice3A_149 = vector.extract_strided_slice %get3A_135 {offsets = [2, 0], sizes = [1, 512], strides = [1, 1]} : vector<8x512xf32> to vector<1x512xf32>
      %slice3A_150 = vector.extract_strided_slice %get3A_135 {offsets = [3, 0], sizes = [1, 512], strides = [1, 1]} : vector<8x512xf32> to vector<1x512xf32>
      %reduce_sum3A_151 = vector.shape_cast %slice3A_150 : vector<1x512xf32> to vector<1x1x512xf32>
      %reduce_sum3A_152 = arith.constant dense<0.000000e+00> : vector<1xf32>
      %reduce_sum3A_153 = vector.multi_reduction <add>, %reduce_sum3A_151, %reduce_sum3A_152 [1, 2] : vector<1x1x512xf32> to vector<1xf32>
      %reduce_sum3A_154 = vector.shape_cast %reduce_sum3A_153 : vector<1xf32> to vector<1x1x1xf32>
      %reduce_sum3A_155 = vector.extract %reduce_sum3A_154[0, 0, 0] : f32 from vector<1x1x1xf32>
      %mul3A_156 = arith.constant 0.001953125 : f32
      %mul3A_157 = arith.mulf %reduce_sum3A_155, %mul3A_156 : f32
      %sub3A_158 = arith.subf %slice3A_148, %slice3A_149 : vector<1x512xf32>
      %mul3A_159 = arith.mulf %sub3A_158, %get3A_138 : vector<1x512xf32>
      %reduce_sum3A_160 = vector.shape_cast %mul3A_159 : vector<1x512xf32> to vector<1x1x512xf32>
      %reduce_sum3A_161 = arith.constant dense<0.000000e+00> : vector<1xf32>
      %reduce_sum3A_162 = vector.multi_reduction <add>, %reduce_sum3A_160, %reduce_sum3A_161 [1, 2] : vector<1x1x512xf32> to vector<1xf32>
      %reduce_sum3A_163 = vector.shape_cast %reduce_sum3A_162 : vector<1xf32> to vector<1x1x1xf32>
      %reduce_sum3A_164 = vector.extract %reduce_sum3A_163[0, 0, 0] : f32 from vector<1x1x1xf32>
      %mul3A_165 = arith.constant 2.000000e+00 : f32
      %mul3A_166 = arith.mulf %mul3A_165, %reduce_sum3A_164 : f32
      %sub3A_167 = arith.subf %reduce_sum3A_147, %mul3A_166 : f32
      %mul3A_168 = arith.mulf %slice3A_149, %get3A_141 : vector<1x512xf32>
      %reduce_sum3A_169 = vector.shape_cast %mul3A_168 : vector<1x512xf32> to vector<1x1x512xf32>
      %reduce_sum3A_170 = arith.constant dense<0.000000e+00> : vector<1xf32>
      %reduce_sum3A_171 = vector.multi_reduction <add>, %reduce_sum3A_169, %reduce_sum3A_170 [1, 2] : vector<1x1x512xf32> to vector<1xf32>
      %reduce_sum3A_172 = vector.shape_cast %reduce_sum3A_171 : vector<1xf32> to vector<1x1x1xf32>
      %reduce_sum3A_173 = vector.extract %reduce_sum3A_172[0, 0, 0] : f32 from vector<1x1x1xf32>
      %mul3A_174 = arith.constant 2.000000e+00 : f32
      %mul3A_175 = arith.mulf %mul3A_174, %reduce_sum3A_173 : f32
      %sub3A_176 = arith.subf %sub3A_167, %mul3A_175 : f32
      %sub3A_177 = arith.constant 1.228800e+04 : f32
      %sub3A_178 = arith.subf %sub3A_177, %mul3A_157 : f32
      %mul3A_179 = arith.mulf %get3A_138, %get3A_138 : vector<1x512xf32>
      %reduce_sum3A_180 = vector.shape_cast %mul3A_179 : vector<1x512xf32> to vector<1x1x512xf32>
      %reduce_sum3A_181 = arith.constant dense<0.000000e+00> : vector<1xf32>
      %reduce_sum3A_182 = vector.multi_reduction <add>, %reduce_sum3A_180, %reduce_sum3A_181 [1, 2] : vector<1x1x512xf32> to vector<1xf32>
      %reduce_sum3A_183 = vector.shape_cast %reduce_sum3A_182 : vector<1xf32> to vector<1x1x1xf32>
      %reduce_sum3A_184 = vector.extract %reduce_sum3A_183[0, 0, 0] : f32 from vector<1x1x1xf32>
      %mul3A_185 = arith.mulf %sub3A_178, %reduce_sum3A_184 : f32
      %add3A_186 = arith.addf %sub3A_176, %mul3A_185 : f32
      %mul3A_187 = arith.mulf %get3A_141, %get3A_141 : vector<1x512xf32>
      %reduce_sum3A_188 = vector.shape_cast %mul3A_187 : vector<1x512xf32> to vector<1x1x512xf32>
      %reduce_sum3A_189 = arith.constant dense<0.000000e+00> : vector<1xf32>
      %reduce_sum3A_190 = vector.multi_reduction <add>, %reduce_sum3A_188, %reduce_sum3A_189 [1, 2] : vector<1x1x512xf32> to vector<1xf32>
      %reduce_sum3A_191 = vector.shape_cast %reduce_sum3A_190 : vector<1xf32> to vector<1x1x1xf32>
      %reduce_sum3A_192 = vector.extract %reduce_sum3A_191[0, 0, 0] : f32 from vector<1x1x1xf32>
      %mul3A_193 = arith.mulf %mul3A_157, %reduce_sum3A_192 : f32
      %add3A_194 = arith.addf %add3A_186, %mul3A_193 : f32
      %broadcast_in_dim3A_195 = vector.broadcast %add3A_194 : f32 to vector<1x512xf32>
      %swap3A_196 = arith.constant 4 : index
      %swap3A_197 = arith.constant 0 : index
      %swap3A_198 = vector.load %arg4[%swap3A_196, %swap3A_197] : memref<8x512xf32, #tpu.memory_space<vmem>>, vector<1x512xf32>
      tpu.vector_store %arg4[%swap3A_196, %swap3A_197], %broadcast_in_dim3A_195 {strides = array<i32>} : memref<8x512xf32, #tpu.memory_space<vmem>>, vector<1x512xf32>,
    } else {
    }
    return
  }
  func.func @transform_0(%arg0: i32) -> (i32, i32) {
    %c0_i32 = arith.constant 0 : i32
    %c0_i32_0 = arith.constant 0 : i32
    return %arg0, %c0_i32 : i32, i32
  }
  func.func @transform_1(%arg0: i32) -> (i32, i32, i32) {
    %c0_i32 = arith.constant 0 : i32
    %c0_i32_0 = arith.constant 0 : i32
    %c0_i32_1 = arith.constant 0 : i32
    return %arg0, %c0_i32, %c0_i32_0 : i32, i32, i32
  }
  func.func @transform_2(%arg0: i32) -> (i32, i32) {
    %c0_i32 = arith.constant 0 : i32
    %c0_i32_0 = arith.constant 0 : i32
    %c0_i32_1 = arith.constant 0 : i32
    return %c0_i32, %c0_i32_0 : i32, i32
  }
  func.func @transform_3(%arg0: i32) -> (i32, i32) {
    %c0_i32 = arith.constant 0 : i32
    %c0_i32_0 = arith.constant 0 : i32
    %c0_i32_1 = arith.constant 0 : i32
    return %c0_i32, %c0_i32_0 : i32, i32
  }
}

</mosaic_0001>

<sc_bundles>
// kernel: kernel.4.cloned.1.call-start
scs
__scs_entry_jumppad:
0x0: {  	(pc) =	sbr.rel $0x88, $3  }
0x1: {  	(tag) =	ssettag $0x0;
	lr =	simm.s32 $0x1  }
0x2: {  	[smem:$0x3F9E] =	sst lr;
	_ =	strace $0xD0000000  }
0x3: {  	_ = 	snop  }
0x4: {  	_ = 	snop  }
0x5: {  	_ = 	snop  }
0x6: {  	_ = 	snop  }
0x7: {  	_ = 	snop  }
__scs_overlays_trampoline_lowered:
0x8: {  	[smem:$0x3FAD] =	sst s0  }
0x9: {  	[smem:$0x3FAE] =	sst s1  }
0xa: {  	[smem:$0x3FAF] =	sst s2  }
0xb: {  	[smem:$0x3FB0] =	sst s3  }
0xc: {  	[smem:$0x3FB1] =	sst s4  }
0xd: {  	[smem:$0x3FB2] =	sst s5  }
0xe: {  	[smem:$0x3FB3] =	sst s6  }
0xf: {  	[smem:$0x3FB4] =	sst s7  }
0x10: {  	[smem:$0x3FB5] =	sst s8  }
0x11: {  	[smem:$0x3FB6] =	sst s9;
	s0 =	simm.s32 @!p0 $0x0  }
0x12: {  	s1 =	sld [smem:$0x3F9C];
	s0 =	simm.s32 @p0 $0x1  }
0x13: {  	[smem:$0x3FB7] =	sst s0;
	s0 =	simm.s32 @!p1 $0x0  }
0x14: {  	s2 =	sld [smem:$0x3F9B];
	s0 =	simm.s32 @p1 $0x1  }
0x15: {  	[smem:$0x3FB8] =	sst s0;
	s0 =	simm.s32 @!p2 $0x0  }
0x16: {  	s3 =	sld [smem:$0x3FDB];
	s0 =	simm.s32 @p2 $0x1  }
0x17: {  	s4 =	simm.s32 $0x1BF5;
	[smem:$0x3FBA] =	sst s0  }
0x18: {  	s0 =	sld [smem:$0x3F9D];
	_ =	swait.ge [sflag:s4], $0x0  }
0x19: {  	s7 =	sld [smem:$0x3F9E]  }
0x1a: {  	s8 =	sadd.s32 $0xFFFFE003, lr  }
0x1b: {  	s9 =	sadd.s32 $0xFFFFFEF7, lr;
	s5 =	simm.s32 $0xFFFFFFFF;
	p2 =	slt.u32 s8, $0xFFFFF086  }
0x1c: {  	p1 =	slt.u32 s9, $0xF7A;
	s5 =	simm.s32 @!p2 $0x0  }
0x1d: {  	s5 =	simm.s32 @p1 $0x1;
	p0 =	seq.s32 s7, s2  }
0x1e: {  	s7 =	smul.u32 @!p0 $0xF7A, s2;
	p2 =	seq.s32 @!p0 s5, $0x0  }
0x1f: {  	s9 =	smul.u32 $0xF7A, s1;
	s8 =	simm.s32 @!p0 $0x1BF5;
	p2 =	por !p2, p0  }
0x20: {  	[sflag:s8] =	ssyncset.s32 @!p0 $0xFFFFF086;
	s6 =	sadd.s32 @!p0 s3, s7;
	s7 =	simm.s32 @!p0 $0x108  }
0x21: {  	s3 =	sadd.s32 s3, s9;
	s6 =	sadd.s32 @!p0 $0x88, s6;
	s7 =	simm.s32 @p2 $0x1082  }
0x22: {  	[simem:s7], [sflag:s8] =	dma.local @!p0 [hbm:s6], $0xF7A  }
0x23: {  	s9 =	sor.u32 $0xD0000000, s2;
	s6 =	simm.s32 $0x108;
	_ =	swait.ge @!p0 [sflag:s8], $0x0  }
0x24: {  	s3 =	sadd.s32 $0x88, s3;
	s6 =	simm.s32 @!p1 $0x1082;
	[sflag:s4] =	ssyncset.s32 $0xFFFFF086  }
0x25: {  	[simem:s6], [sflag:s4] =	dma.local [hbm:s3], $0xF7A  }
0x26: {  	[smem:$0x3F9E] =	sst s1;
	(tag) =	ssettag s2;
	_ =	strace s9  }
0x27: {  	s1 =	sld [smem:$0x3FAE]  }
0x28: {  	s2 =	sld [smem:$0x3FAF]  }
0x29: {  	s4 =	sld [smem:$0x3FB1]  }
0x2a: {  	p0 =	seq.s32 s5, $0x0;
	s5 =	sld [smem:$0x3FB2]  }
0x2b: {  	s6 =	sld [smem:$0x3FB3]  }
0x2c: {  	s7 =	sld [smem:$0x3FB4]  }
0x2d: {  	s3 =	simm.s32 $0x108;
	s8 =	sld [smem:$0x3FB5]  }
0x2e: {  	s3 =	simm.s32 @!p0 $0x1082;
	s9 =	sld [smem:$0x3FB6]  }
0x2f: {  	lr =	sadd.s32 s0, s3;
	s0 =	sld [smem:$0x3FAD]  }
0x30: {  	s3 =	sld [smem:$0x3FB0]  }
0x31: {  	[smem:$0x3FB9] =	sst s10  }
0x32: {  	s10 =	sld [smem:$0x3FB7];
	_ =	sdelay $0x3  }
0x33: {  	p0 =	seq.s32 s10, $0x1;
	s10 =	sld [smem:$0x3FB9];
	_ =	sdelay $0x3  }
0x34: {  	[smem:$0x3FB9] =	sst s10  }
0x35: {  	s10 =	sld [smem:$0x3FB8];
	_ =	sdelay $0x3  }
0x36: {  	p1 =	seq.s32 s10, $0x1;
	s10 =	sld [smem:$0x3FB9];
	_ =	sdelay $0x3  }
0x37: {  	[smem:$0x3FB9] =	sst s10  }
0x38: {  	s10 =	sld [smem:$0x3FBA]  }
0x39: {  	_ = 	snop;
	(pc) =	sbr.ind lr, $3  }
0x3a: {  	_ = 	snop  }
0x3b: {  	_ = 	snop  }
0x3c: {  	p2 =	seq.s32 s10, $0x1;
	s10 =	sld [smem:$0x3FB9]  }
0x3d: {  	_ =	shalt  }
0x3e: {  	_ =	shalt  }
0x3f: {  	_ =	shalt  }
0x40: {  	_ =	shalt  }
0x41: {  	_ =	shalt  }
0x42: {  	_ =	shalt  }
0x43: {  	_ =	shalt  }
0x44: {  	_ =	shalt  }
0x45: {  	_ =	shalt  }
0x46: {  	_ =	shalt  }
0x47: {  	_ =	shalt  }
0x48: {  	_ =	shalt  }
0x49: {  	_ =	shalt  }
0x4a: {  	_ =	shalt  }
0x4b: {  	_ =	shalt  }
0x4c: {  	_ =	shalt  }
0x4d: {  	_ =	shalt  }
0x4e: {  	_ =	shalt  }
0x4f: {  	_ =	shalt  }
0x50: {  	_ =	shalt  }
0x51: {  	_ =	shalt  }
0x52: {  	_ =	shalt  }
0x53: {  	_ =	shalt  }
0x54: {  	_ =	shalt  }
0x55: {  	_ =	shalt  }
0x56: {  	_ =	shalt  }
0x57: {  	_ =	shalt  }
0x58: {  	_ =	shalt  }
0x59: {  	_ =	shalt  }
0x5a: {  	_ =	shalt  }
0x5b: {  	_ =	shalt  }
0x5c: {  	_ =	shalt  }
0x5d: {  	_ =	shalt  }
0x5e: {  	_ =	shalt  }
0x5f: {  	_ =	shalt  }
0x60: {  	_ =	shalt  }
0x61: {  	_ =	shalt  }
0x62: {  	_ =	shalt  }
0x63: {  	_ =	shalt  }
0x64: {  	_ =	shalt  }
0x65: {  	_ =	shalt  }
0x66: {  	_ =	shalt  }
0x67: {  	_ =	shalt  }
0x68: {  	_ =	shalt  }
0x69: {  	_ =	shalt  }
0x6a: {  	_ =	shalt  }
0x6b: {  	_ =	shalt  }
0x6c: {  	_ =	shalt  }
0x6d: {  	_ =	shalt  }
0x6e: {  	_ =	shalt  }
0x6f: {  	_ =	shalt  }
0x70: {  	_ =	shalt  }
0x71: {  	_ =	shalt  }
0x72: {  	_ =	shalt  }
0x73: {  	_ =	shalt  }
0x74: {  	_ =	shalt  }
0x75: {  	_ =	shalt  }
0x76: {  	_ =	shalt  }
0x77: {  	_ =	shalt  }
0x78: {  	_ =	shalt  }
0x79: {  	_ =	shalt  }
0x7a: {  	_ =	shalt  }
0x7b: {  	_ =	shalt  }
0x7c: {  	_ =	shalt  }
0x7d: {  	_ =	shalt  }
0x7e: {  	_ =	shalt  }
0x7f: {  	_ =	shalt  }
0x80: {  	_ =	shalt  }
0x81: {  	_ =	shalt  }
0x82: {  	_ =	shalt  }
0x83: {  	_ =	shalt  }
0x84: {  	_ =	shalt  }
0x85: {  	_ =	shalt  }
0x86: {  	_ =	shalt  }
0x87: {  	_ =	shalt  }
.Lfunc_end0:
.L_simem_size_0:
called_computation_lowered:
.L_overlay_start_0:
0x88: {  	s2 =	sld [smem:$0x3FD9]  }
0x89: {  	s3 =	sld [smem:$0x3FFE];
	_ =	sdelay $0x1  }
0x8a: {  	s1 =	srdreg.scid  }
0x8b: {  	s0 =	sand.u32 $0x1, s1  }
0x8c: {  	s17 =	sshll.u32 s0, $0xA;
	s2 =	sadd.s32 s3, s2  }
0x8d: {  	s2 =	sadd.s32 s2, s17  }
0x8e: {  	[smem:$0x3FC5] =	sst s2  }
0x8f: {  	_ = 	snop  }
0x90: {  	s2 =	sld [smem:$0x3FC9]  }
0x91: {  	s18 =	sld [smem:$0x3FC8]  }
0x92: {  	s4 =	sld [smem:$0x3FC7];
	(tm) =	ssettm $0x1  }
0x93: {  	s5 =	sld [smem:$0x3FFB];
	_ =	sdelay $0x3  }
0x94: {  	_ =	strace s5  }
0x95: {  	s5 =	sld [smem:$0x3FFC];
	_ =	sdelay $0x3  }
0x96: {  	_ =	strace s5  }
0x97: {  	s5 =	sld [smem:$0x3FFD];
	_ =	sdelay $0x3  }
0x98: {  	_ =	strace s5  }
0x99: {  	_ =	strace $0x8FFFFFFF  }
0x9a: {  	s19 =	sld [smem:$0x3FDB];
	_ =	sdelay $0x1  }
0x9b: {  	s6 =	simm.s32 $_scs_section_size  }
0x9c: {  	s7 =	simm.s32 $_size__tile_overlayer_lowered;
	s8 =	simm.s32 $_tile_overlayer_lowered  }
0x9d: {  	s22 =	simm.s32 $0x1BFF;
	s21 =	sshll.u32 s8, $0x1;
	s5 =	sadd.s32 s6, s19  }
0x9e: {  	s9 =	simm.s32 $0x0;
	s20 =	sshll.u32 s7, $0x1;
	s7 =	sadd.s32 s21, s5  }
0x9f: {  	[timem:s9], [sflag:s22] =	dma.local [hbm:s7], s20  }
0xa0: {  	_ =	swait.ge [sflag:s22], s20  }
0xa1: {  	s6 =	ssub.s32 $0x0, s20;
	[sflag:s22] =	ssyncset.done $0x0  }
0xa2: {  	[sflag:s22] =	ssyncadd.s32 s6;
	_ =	sdelay $0x1  }
0xa3: {  	s23 =	simm.s32 $0x1B8B  }
0xa4: {  	_ =	swait.ge [sflag:s23], $0x1  }
0xa5: {  	[sflag:s23] =	ssyncset.done $0x0  }
0xa6: {  	s25 =	simm.s32 $0x1B8E;
	s24 =	sld [smem:$0x3FFE];
	[sflag:s23] =	ssyncadd.s32 $0xFFFFFFFF  }
0xa7: {  	s26 =	simm.s32 $execute0_lowered;
	[smem:$0x3FD2] =	sst s25  }
0xa8: {  	s7 =	sshll.u32 s26, $0x1;
	_ =	strace $0x80000046;
	[dreg:$0x1] =	wrdreg $0xFFFFFFFF  }
0xa9: {  	s28 =	simm.s32 $_size_execute0_lowered;
	s5 =	sadd.s32 s5, s7;
	[dreg:$0x0] =	wrdreg $0x0  }
0xaa: {  	s7 =	sshll.u32 s28, $0x1;
	[dreg:$0x2] =	wrdreg s5  }
0xab: {  	[dreg:$0x3] =	wrdreg s7  }
0xac: {  	[dreg:$0x4] =	wrdreg $0xC0  }
0xad: {  	_ =	task [dreg:s9], $0x5FFFF  }
0xae: {  	[dreg:$0x1] =	wrdreg $0xFFFFFFFF  }
0xaf: {  	[dreg:$0x0] =	wrdreg $0x60  }
0xb0: {  	[dreg:$0x2] =	wrdreg s2  }
0xb1: {  	[dreg:$0x3] =	wrdreg s18  }
0xb2: {  	[dreg:$0x4] =	wrdreg s4  }
0xb3: {  	[dreg:$0x5] =	wrdreg s24  }
0xb4: {  	[dreg:$0x6] =	wrdreg $0x9  }
0xb5: {  	_ =	task.clear_ibuf [dreg:s9], $0x7FFFF;
	_ =	strace $0x90000046  }
0xb6: {  	s29 =	simm.s32 $0x9;
	_ =	strace $0x80000048  }
0xb7: {  	_ =	swait.ge [sflag:s29], $0x1  }
0xb8: {  	[sflag:s29] =	ssyncadd.s32 $0xFFFFFFFF  }
0xb9: {  	_ =	strace $0x90000048  }
0xba: {  	_ =	sfence  }
0xbb: {  	s30 =	sld [smem:$0x0];
	_ =	sdelay $0x2  }
0xbc: {  	s31 =	sshll.u32 s1, $0xD;
	s1 =	sshrl.u32 s1, $0x2  }
0xbd: {  	s3 =	sand.u32 $0x4000, s31;
	s1 =	sadd.s32 s1, s30  }
0xbe: {  	s0 =	sor.u32 s3, s0;
	s1 =	sshll.u32 s1, $0x11  }
0xbf: {  	s0 =	sor.u32 s1, s0  }
0xc0: {  	s0 =	sadd.s32 $0x8F2B, s0  }
0xc1: {  	[sflag:s0] =	ssyncadd.remote.s32 $0x1  }
0xc2: {  	_ =	sfence.sel $0xFFFF  }
0xc3: {  	[dreg:$0x0] =	wrdreg $0xFFFFFFFF;
	(pc) =	sbr.abs _section_cstart, $3  }
0xc4: {  	[dreg:$0x1] =	wrdreg $0xFFFFFFFF  }
0xc5: {  	_ =	task.clear_ibuf [dreg:s9], $0x2FFFF;
	_ =	strace $0x9FFFFFFF  }
0xc6: {  	(tm) =	ssettm $0x7FFFFFFF  }
0xc7: {  	_ =	shalt  }
tec
execute0_lowered:
.L_overlay_start_1:
0x0: {  	(tag) =	ssettag $0x1  }
0x1: {  	s5 =	rddreg [dreg:$0x0]  }
0x2: {  	s4 =	rddreg [dreg:$0x1]  }
0x3: {  	s1 =	rddreg [dreg:$0x2]  }
0x4: {  	s6 =	rddreg [dreg:$0x3]  }
0x5: {  	s0 =	rddreg [dreg:$0x4];
	s3 =	simm.s32 $0x0;
	s7 =	srdreg.scid  }
0x6: {  	s2 =	stileid.u32;
	s12 =	simm.s32 $0x8000;
	s13 =	simm.s32 $0x1  }
0x7: {  	s14 =	simm.s32 $0x2;
	s15 =	simm.s32 $0x10700;
	s16 =	simm.s32 $0x0  }
0x8: {  	[smem:$0x7FF] =	sst s3;
	s7 =	sand.u32 $0x1, s7;
	s8 =	sshll.u32 s2, $0x1  }
0x9: {  	_ =	strace $0x80000047;
	s8 =	sor.u32 s7, s8;
	s7 =	ssub.s32 $0x2, s7  }
0xa: {  	s9 =	sshll.u32 s8, $0x4;
	s10 =	sshll.u32 s8, $0x7;
	s28 =	sshrl.u32 s7, $0x1  }
0xb: {  	s30 =	sshll.u32 s8, $0xD;
	s9 =	sadd.s32 s9, s6;
	s10 =	sor.u32 $0x3000, s10  }
0xc: {  	s11 =	ssub.s32 s7, s28;
	s7 =	sadd.s32 s30, s5;
	s29 =	sshrl.u32 s10, $0x3  }
0xd: {  	s31 =	sshll.u32 s10, $0x6;
	s6 =	sadd.s32 $0xC1000, s7;
	s7 =	sadd.s32 $0x400, s9  }
0xe: {  	s8 =	smax.u32 s11, $0x1;
	s9 =	simm.s32 $0x10080;
	s10 =	simm.s32 $0x3  }
0xf: {  	v0 =	vimm.f32 $0.0e+00;
	s11 =	simm.s32 $0x10100;
	s4 =	sadd.s32 s4, s29;
	s5 =	sadd.s32 s5, s31  }
.LBB2_1:
0x10: {  	[tilespmem:s9], [sflag:$0x3] =	stream.linear.gather [hbm4b:s4+s3], $0x80, $0x38;
	[tilespmem:$0x10780] =	vst v63  }
0x11: {  	_ =	swait.ge [sflag:s10], $0x80  }
0x12: {  	[sflag:s10] =	ssyncset.done $0x0  }
0x13: {  	[sflag:s10] =	ssyncadd.s32 $0xFFFFFF80  }
0x14: {  	[tilespmem:s11], [sflag:$0x3] =	stream.linear.gather [hbm4b:s1+s3], $0x400, $0x38;
	[tilespmem:$0x10780] =	vst v63  }
0x15: {  	_ =	swait.ge [sflag:s10], $0x400  }
0x16: {  	[sflag:s10] =	ssyncset.done $0x0  }
0x17: {  	[sflag:s10] =	ssyncadd.s32 $0xFFFFFC00  }
0x18: {  	v1 =	vld [tilespmem:$0x10080];
	_ =	sdelay $0x1  }
0x19: {  	v2 =	vld [tilespmem:$0x10090]  }
0x1a: {  	v4 =	vld [tilespmem:$0x100A0];
	_ =	sdelay $0x1  }
0x1b: {  	v7 =	vld [tilespmem:$0x100C0];
	v3 =	vadd.s32 $0xFFFFFFE2, v1;
	v1 =	vadd.s32 $0xFFFFFFC4, v1  }
0x1c: {  	v5 =	vsub.s32 $0x0, v3;
	v6 =	vsub.s32 $0x0, v1  }
0x1d: {  	v10 =	vld [tilespmem:$0x100F0];
	v47 =	vadd.s32 $0xFFFFFFE2, v2;
	v3 =	vmin.u32 v3, v5;
	v1 =	vmin.u32 v1, v6  }
0x1e: {  	v2 =	vadd.s32 $0xFFFFFFC4, v2;
	v50 =	vadd.s32 $0xFFFFFFE2, v4;
	vm0 =	vlt.s32 v1, v3;
	v3 =	vld [tilespmem:$0x100B0]  }
0x1f: {  	v4 =	vadd.s32 $0xFFFFFFC4, v4;
	v49 =	vsub.s32 $0x0, v2;
	v1 =	vsub.s32 $0x0, v47  }
0x20: {  	v53 =	vadd.s32 $0xFFFFFFE2, v7;
	v2 =	vmin.u32 v2, v49;
	v1 =	vmin.u32 v47, v1  }
0x21: {  	vm9 =	vlt.s32 v2, v1;
	v1 =	vsub.s32 $0x0, v50;
	v2 =	vsub.s32 $0x0, v4  }
0x22: {  	v60 =	vadd.s32 $0xFFFFFFE2, v10;
	v1 =	vmin.u32 v50, v1;
	v2 =	vmin.u32 v4, v2  }
0x23: {  	vm10 =	vlt.s32 v2, v1;
	v1 =	vadd.s32 $0xFFFFFFE2, v3;
	v2 =	vadd.s32 $0xFFFFFFC4, v3;
	v3 =	vld [tilespmem:$0x100D0]  }
0x24: {  	v61 =	vadd.s32 $0xFFFFFFC4, v10;
	v52 =	vsub.s32 $0x0, v1;
	v9 =	vsub.s32 $0x0, v2  }
0x25: {  	v54 =	vld [tilespmem:$0x100E0];
	v62 =	vsub.s32 $0x0, v60;
	v1 =	vmin.u32 v1, v52;
	v2 =	vmin.u32 v2, v9  }
0x26: {  	vm11 =	vlt.s32 v2, v1;
	v1 =	vsub.s32 $0x0, v53;
	v2 =	vadd.s32 $0xFFFFFFC4, v7  }
0x27: {  	v48 =	vsel vm0, $0x3F800000, v0;
	v1 =	vmin.u32 v53, v1;
	v56 =	vsub.s32 $0x0, v2  }
0x28: {  	v2 =	vmin.u32 v2, v56;
	v57 =	vadd.s32 $0xFFFFFFE2, v3;
	v3 =	vadd.s32 $0xFFFFFFC4, v3  }
0x29: {  	vm12 =	vlt.s32 v2, v1;
	v1 =	vsub.s32 $0x0, v57;
	v2 =	vsub.s32 $0x0, v3  }
0x2a: {  	v1 =	vmin.u32 v57, v1;
	v2 =	vmin.u32 v3, v2;
	v3 =	vadd.s32 $0xFFFFFFE2, v54  }
0x2b: {  	[tilespmem:$0x10000] =	vst v48;
	v8 =	vsel vm9, $0x3F800000, v0;
	vm13 =	vlt.s32 v2, v1;
	v1 =	vsub.s32 $0x0, v3  }
0x2c: {  	[tilespmem:$0x10010] =	vst v8;
	v51 =	vsel vm10, $0x3F800000, v0;
	v1 =	vmin.u32 v3, v1;
	v3 =	vadd.s32 $0xFFFFFFC4, v54  }
0x2d: {  	v63 =	vsub.s32 $0x0, v61;
	[tilespmem:$0x10020] =	vst v51;
	v55 =	vsel vm11, $0x3F800000, v0;
	v59 =	vsub.s32 $0x0, v3  }
0x2e: {  	[tilespmem:$0x10030] =	vst v55;
	v58 =	vsel vm12, $0x3F800000, v0;
	v2 =	vsel vm13, $0x3F800000, v0;
	v3 =	vmin.u32 v3, v59  }
0x2f: {  	[tilespmem:$0x10040] =	vst v58;
	vm14 =	vlt.s32 v3, v1;
	v1 =	vmin.u32 v60, v62;
	v3 =	vmin.u32 v61, v63  }
0x30: {  	[tilespmem:$0x10050] =	vst v2;
	v2 =	vsel vm14, $0x3F800000, v0;
	vm15 =	vlt.s32 v3, v1  }
0x31: {  	s17 =	sand.u32 $0x70, s3;
	s18 =	sand.u32 $0x300, s3;
	[tilespmem:$0x10060] =	vst v2;
	v1 =	vsel vm15, $0x3F800000, v0  }
0x32: {  	s17 =	sor.u32 s17, s18;
	[tilespmem:$0x10070] =	vst v1  }
0x33: {  	s18 =	sadd.s32 $0x10100, s17;
	v1 =	vld [tilespmem:s17+$0x10100]  }
0x34: {  	v2 =	vld [tilespmem:s18+$0x80];
	_ =	sdelay $0x3  }
0x35: {  	s19 =	simm.s32 $0x10  }
0x36: {  	s20 =	sand.u32 $0x70, s19;
	s18 =	simm.s32 $0x20;
	v1 =	vsub.f32 v2, v1  }
0x37: {  	s19 =	simm.s32 $0x20;
	s17 =	simm.s32 $0x10500;
	s21 =	sand.u32 $0x300, s18  }
.LBB2_2:
0x38: {  	p0 =	sne.s32 s19, $0x1F0;
	s20 =	sor.u32 s20, s21;
	[tilespmem:s17+$0x0] =	vst v1  }
0x39: {  	s21 =	sadd.s32 $0x10100, s20;
	v1 =	vld [tilespmem:s20+$0x10100]  }
0x3a: {  	v2 =	vld [tilespmem:s21+$0x80];
	_ =	sdelay $0x1  }
.Ltmp0:
0x3b: {  	(pc) =	sbr.rel @p0 .LBB2_2-.Ltmp0, $3  }
0x3c: {  	_ =	sdelay $0x1  }
0x3d: {  	s18 =	sadd.s32 $0x20, s18;
	s17 =	sadd.s32 $0x10, s17;
	v1 =	vsub.f32 v2, v1  }
0x3e: {  	s20 =	sand.u32 $0x70, s19;
	s19 =	sadd.s32 $0x10, s19;
	s21 =	sand.u32 $0x300, s18  }
0x3f: {  	s18 =	sor.u32 s20, s21;
	[tilespmem:s17+$0x0] =	vst v1  }
0x40: {  	s19 =	sadd.s32 $0x10100, s18;
	v1 =	vld [tilespmem:s18+$0x10100]  }
0x41: {  	v2 =	vld [tilespmem:s19+$0x80];
	_ =	sdelay $0x4  }
0x42: {  	v1 =	vsub.f32 v2, v1  }
0x43: {  	s31 =	sadd.s32 $0x10, s17  }
0x44: {  	s17 =	simm.s32 $0x0;
	[tilespmem:s31+$0x0] =	vst v1  }
0x45: {  	[tilespmem:s17], [sflag:$0x1] =	stream.linear.gather [hbm4b:s5+s17], $0x8000, $0x38;
	[tilespmem:$0x10780] =	vst v63  }
0x46: {  	_ = 	snop  }
0x47: {  	[tilespmem:s12], [sflag:$0x2] =	stream.linear.gather [hbm4b:s6+s17], $0x8000, $0x38;
	[tilespmem:$0x10780] =	vst v63  }
0x48: {  	_ =	swait.ge [sflag:s13], $0x8000  }
0x49: {  	[sflag:s13] =	ssyncset.done $0x0  }
0x4a: {  	v5 =	vimm.f32 $0.0e+00;
	s18 =	simm.s32 $0x0;
	s19 =	simm.s32 $0x0;
	[sflag:s13] =	ssyncadd.s32 $0xFFFF8000  }
.LBB2_4:
0x4b: {  	s20 =	sshll.u32 s18, $0x2  }
0x4c: {  	s21 =	sshll.u32 s19, $0x4;
	s22 =	sshll.u32 s19, $0x5;
	s23 =	sand.u32 $0x7, s17  }
0x4d: {  	s30 =	simm.s32 $0x0;
	s20 =	sand.u32 $0xFFFFF000, s20;
	s23 =	sshll.u32 s23, $0x6  }
0x4e: {  	s24 =	sand.u32 $0x70, s21;
	s22 =	sand.u32 $0x300, s22;
	v3 =	vld [tilespmem:s30+$0x10000];
	s20 =	sor.u32 s23, s20  }
0x4f: {  	v2 =	vld [tilespmem:s21+$0x10500];
	s22 =	sor.u32 s24, s22;
	s20 =	sshrl.u32 s20, $0x2  }
0x50: {  	v1 =	vld [tilespmem:s22+$0x10100];
	s20 =	sadd.s32 $0x1000, s20  }
0x51: {  	v4 =	vld [tilespmem:s20+$0xFFFFF000];
	_ =	sdelay $0x1  }
0x52: {  	v6 =	vld [tilespmem:s20+$0xFFFFF080]  }
0x53: {  	v7 =	vbroadcast v3, $0x0  }
0x54: {  	v8 =	vld [tilespmem:s20+$0xFFFFF100]  }
0x55: {  	v10 =	vld [tilespmem:s20+$0xFFFFF180];
	v9 =	vbroadcast v3, $0x1;
	v7 =	vmul.f32 v7, v2;
	v4 =	vsub.f32 v4, v1  }
0x56: {  	v11 =	vbroadcast v3, $0x2  }
0x57: {  	v9 =	vmul.f32 v9, v2;
	v6 =	vsub.f32 v6, v1;
	v4 =	vsub.f32 v4, v7;
	v7 =	vld [tilespmem:s20+$0xFFFFF200]  }
0x58: {  	v12 =	vbroadcast v3, $0x3;
	v11 =	vmul.f32 v11, v2  }
0x59: {  	v8 =	vsub.f32 v8, v1;
	v6 =	vsub.f32 v6, v9;
	v9 =	vld [tilespmem:s20+$0xFFFFF280];
	v4 =	vmul.f32 v4, v4  }
0x5a: {  	v13 =	vbroadcast v3, $0x4;
	v12 =	vmul.f32 v12, v2;
	v10 =	vsub.f32 v10, v1  }
0x5b: {  	v4 =	vadd.f32 v4, v5;
	v5 =	vmul.f32 v6, v6;
	v6 =	vsub.f32 v8, v11;
	v8 =	vld [tilespmem:s20+$0xFFFFF300]  }
0x5c: {  	v11 =	vmul.f32 v13, v2;
	v13 =	vbroadcast v3, $0x5;
	v7 =	vsub.f32 v7, v1  }
0x5d: {  	v4 =	vadd.f32 v5, v4;
	v5 =	vmul.f32 v6, v6;
	v6 =	vsub.f32 v10, v12;
	v10 =	vld [tilespmem:s20+$0xFFFFF380]  }
0x5e: {  	v9 =	vsub.f32 v9, v1;
	v12 =	vmul.f32 v13, v2;
	v13 =	vbroadcast v3, $0x6  }
0x5f: {  	v4 =	vadd.f32 v5, v4;
	v5 =	vmul.f32 v6, v6;
	v6 =	vsub.f32 v7, v11;
	v7 =	vld [tilespmem:s20+$0x0]  }
0x60: {  	v11 =	vmul.f32 v13, v2;
	v13 =	vbroadcast v3, $0x7;
	v8 =	vsub.f32 v8, v1  }
0x61: {  	v4 =	vadd.f32 v5, v4;
	v5 =	vmul.f32 v6, v6;
	v6 =	vsub.f32 v9, v12;
	v9 =	vld [tilespmem:s20+$0x80]  }
0x62: {  	v12 =	vmul.f32 v13, v2;
	v13 =	vbroadcast v3, $0x8;
	v10 =	vsub.f32 v10, v1  }
0x63: {  	v4 =	vadd.f32 v5, v4;
	v5 =	vmul.f32 v6, v6;
	v6 =	vsub.f32 v8, v11;
	v8 =	vld [tilespmem:s20+$0x100]  }
0x64: {  	v11 =	vmul.f32 v13, v2;
	v13 =	vbroadcast v3, $0x9;
	v7 =	vsub.f32 v7, v1  }
0x65: {  	v4 =	vadd.f32 v5, v4;
	v5 =	vmul.f32 v6, v6;
	v6 =	vsub.f32 v10, v12;
	v10 =	vld [tilespmem:s20+$0x180]  }
0x66: {  	v12 =	vmul.f32 v13, v2;
	v13 =	vbroadcast v3, $0xA;
	v9 =	vsub.f32 v9, v1  }
0x67: {  	v4 =	vadd.f32 v5, v4;
	v5 =	vmul.f32 v6, v6;
	v6 =	vsub.f32 v7, v11;
	v11 =	vld [tilespmem:s20+$0x200]  }
0x68: {  	v14 =	vbroadcast v3, $0xB;
	v13 =	vmul.f32 v13, v2;
	v8 =	vsub.f32 v8, v1  }
0x69: {  	v7 =	vld [tilespmem:s20+$0x280];
	v4 =	vadd.f32 v5, v4;
	v5 =	vmul.f32 v6, v6;
	v6 =	vsub.f32 v9, v12  }
0x6a: {  	v14 =	vmul.f32 v14, v2;
	v9 =	vbroadcast v3, $0xC;
	v15 =	vsub.f32 v10, v1  }
0x6b: {  	v13 =	vsub.f32 v8, v13;
	v12 =	vadd.f32 v5, v4;
	v16 =	vmul.f32 v6, v6;
	v6 =	vld [tilespmem:s20+$0x300]  }
0x6c: {  	s31 =	simm.s32 $0x10;
	v10 =	vbroadcast v3, $0xD;
	v9 =	vmul.f32 v9, v2;
	v5 =	vld [tilespmem:s20+$0x380];
	v8 =	vsub.f32 v11, v1  }
0x6d: {  	s21 =	simm.s32 $0x80;
	v4 =	vld [tilespmem:s31+$0x10000];
	v11 =	vadd.f32 v16, v12;
	v12 =	vmul.f32 v13, v13;
	v13 =	vsub.f32 v15, v14  }
.LBB2_5:
0x6e: {  	p0 =	sne.s32 s21, $0xC0;
	v7 =	vsub.f32 v7, v1;
	v10 =	vmul.f32 v10, v2;
	v14 =	vbroadcast v3, $0xE;
	s20 =	sadd.s32 $0x2000, s20  }
0x6f: {  	v8 =	vsub.f32 v8, v9;
	v15 =	vld [tilespmem:s20+$0xFFFFF000];
	v11 =	vadd.f32 v12, v11;
	v12 =	vmul.f32 v13, v13  }
0x70: {  	v6 =	vsub.f32 v6, v1;
	v9 =	vmul.f32 v14, v2;
	v14 =	vbroadcast v3, $0xF  }
0x71: {  	v8 =	vmul.f32 v8, v8;
	v7 =	vsub.f32 v7, v10;
	v13 =	vld [tilespmem:s20+$0xFFFFF080];
	v11 =	vadd.f32 v12, v11  }
0x72: {  	v5 =	vsub.f32 v5, v1;
	v10 =	vbroadcast v4, $0x0;
	v12 =	vmul.f32 v14, v2;
	v3 =	vmovc v4  }
0x73: {  	v7 =	vmul.f32 v7, v7;
	v6 =	vsub.f32 v6, v9;
	v4 =	vld [tilespmem:s20+$0xFFFFF100];
	v8 =	vadd.f32 v8, v11  }
0x74: {  	v11 =	vbroadcast v3, $0x1;
	v9 =	vsub.f32 v15, v1;
	v10 =	vmul.f32 v10, v2  }
0x75: {  	v6 =	vmul.f32 v6, v6;
	v5 =	vsub.f32 v5, v12;
	v14 =	vld [tilespmem:s20+$0xFFFFF180];
	v7 =	vadd.f32 v7, v8  }
0x76: {  	v12 =	vbroadcast v3, $0x2;
	v11 =	vmul.f32 v11, v2;
	v8 =	vsub.f32 v13, v1  }
0x77: {  	v9 =	vsub.f32 v9, v10;
	v5 =	vmul.f32 v5, v5;
	v10 =	vld [tilespmem:s20+$0xFFFFF200];
	v6 =	vadd.f32 v6, v7  }
0x78: {  	v7 =	vmul.f32 v12, v2;
	v12 =	vbroadcast v3, $0x3;
	v4 =	vsub.f32 v4, v1  }
0x79: {  	v9 =	vmul.f32 v9, v9;
	v8 =	vsub.f32 v8, v11;
	v11 =	vld [tilespmem:s20+$0xFFFFF280];
	v5 =	vadd.f32 v5, v6  }
0x7a: {  	v13 =	vbroadcast v3, $0x4;
	v12 =	vmul.f32 v12, v2;
	v6 =	vsub.f32 v14, v1  }
0x7b: {  	v8 =	vmul.f32 v8, v8;
	v4 =	vsub.f32 v4, v7;
	v5 =	vadd.f32 v9, v5;
	v7 =	vld [tilespmem:s20+$0xFFFFF300]  }
0x7c: {  	v9 =	vsub.f32 v10, v1;
	v10 =	vmul.f32 v13, v2;
	v13 =	vbroadcast v3, $0x5  }
0x7d: {  	v4 =	vmul.f32 v4, v4;
	v6 =	vsub.f32 v6, v12;
	v5 =	vadd.f32 v8, v5;
	v8 =	vld [tilespmem:s20+$0xFFFFF380]  }
0x7e: {  	v11 =	vsub.f32 v11, v1;
	v12 =	vmul.f32 v13, v2;
	v13 =	vbroadcast v3, $0x6  }
0x7f: {  	v4 =	vadd.f32 v4, v5;
	v5 =	vmul.f32 v6, v6;
	v6 =	vsub.f32 v9, v10;
	v9 =	vld [tilespmem:s20+$0x0]  }
0x80: {  	v7 =	vsub.f32 v7, v1;
	v10 =	vmul.f32 v13, v2;
	v13 =	vbroadcast v3, $0x7  }
0x81: {  	v4 =	vadd.f32 v5, v4;
	v5 =	vmul.f32 v6, v6;
	v6 =	vsub.f32 v11, v12;
	v11 =	vld [tilespmem:s20+$0x80]  }
0x82: {  	v8 =	vsub.f32 v8, v1;
	v12 =	vmul.f32 v13, v2;
	v13 =	vbroadcast v3, $0x8  }
0x83: {  	v4 =	vadd.f32 v5, v4;
	v5 =	vmul.f32 v6, v6;
	v6 =	vsub.f32 v7, v10;
	v7 =	vld [tilespmem:s20+$0x100]  }
0x84: {  	v9 =	vsub.f32 v9, v1;
	v10 =	vmul.f32 v13, v2;
	v13 =	vbroadcast v3, $0x9  }
0x85: {  	v4 =	vadd.f32 v5, v4;
	v5 =	vmul.f32 v6, v6;
	v6 =	vsub.f32 v8, v12;
	v8 =	vld [tilespmem:s20+$0x180]  }
0x86: {  	v11 =	vsub.f32 v11, v1;
	v12 =	vmul.f32 v13, v2;
	v13 =	vbroadcast v3, $0xA  }
0x87: {  	v4 =	vadd.f32 v5, v4;
	v5 =	vmul.f32 v6, v6;
	v6 =	vsub.f32 v9, v10;
	v9 =	vld [tilespmem:s20+$0x200]  }
0x88: {  	v14 =	vbroadcast v3, $0xB;
	v10 =	vsub.f32 v7, v1;
	v13 =	vmul.f32 v13, v2  }
.Ltmp1:
0x89: {  	v4 =	vadd.f32 v5, v4;
	v5 =	vmul.f32 v6, v6;
	v6 =	vsub.f32 v11, v12;
	v7 =	vld [tilespmem:s20+$0x280];
	(pc) =	sbr.rel @p0 .LBB2_5-.Ltmp1, $4  }
0x8a: {  	v14 =	vmul.f32 v14, v2;
	v11 =	vbroadcast v3, $0xC;
	v15 =	vsub.f32 v8, v1  }
0x8b: {  	v13 =	vsub.f32 v10, v13;
	v12 =	vadd.f32 v5, v4;
	v16 =	vmul.f32 v6, v6;
	v6 =	vld [tilespmem:s20+$0x300]  }
0x8c: {  	s22 =	sshra.s32 s21, $0x2;
	v10 =	vbroadcast v3, $0xD;
	v8 =	vsub.f32 v9, v1;
	v9 =	vmul.f32 v11, v2;
	v5 =	vld [tilespmem:s20+$0x380]  }
0x8d: {  	s21 =	sadd.s32 $0x40, s21;
	v4 =	vld [tilespmem:s22+$0x10000];
	v11 =	vadd.f32 v16, v12;
	v12 =	vmul.f32 v13, v13;
	v13 =	vsub.f32 v15, v14  }
0x8e: {  	v7 =	vsub.f32 v7, v1;
	v10 =	vmul.f32 v10, v2;
	v14 =	vbroadcast v3, $0xE;
	s20 =	sadd.s32 $0x2000, s20  }
0x8f: {  	v8 =	vsub.f32 v8, v9;
	v15 =	vld [tilespmem:s20+$0xFFFFF000];
	v11 =	vadd.f32 v12, v11;
	v21 =	vmul.f32 v13, v13  }
0x90: {  	v3 =	vbroadcast v3, $0xF;
	v6 =	vsub.f32 v6, v1;
	v22 =	vmul.f32 v14, v2  }
0x91: {  	v23 =	vld [tilespmem:s20+$0xFFFFF080];
	v8 =	vmul.f32 v8, v8;
	v7 =	vsub.f32 v7, v10;
	v11 =	vadd.f32 v21, v11  }
0x92: {  	v3 =	vmul.f32 v3, v2;
	v5 =	vsub.f32 v5, v1;
	v24 =	vbroadcast v4, $0x0  }
0x93: {  	v7 =	vmul.f32 v7, v7;
	v6 =	vsub.f32 v6, v22;
	v8 =	vadd.f32 v8, v11  }
0x94: {  	v25 =	vld [tilespmem:s20+$0xFFFFF100];
	v27 =	vbroadcast v4, $0x1;
	v3 =	vsub.f32 v5, v3;
	v26 =	vsub.f32 v15, v1  }
0x95: {  	v28 =	vld [tilespmem:s20+$0xFFFFF180];
	v10 =	vmul.f32 v24, v2;
	v6 =	vmul.f32 v6, v6;
	v7 =	vadd.f32 v7, v8  }
0x96: {  	v30 =	vbroadcast v4, $0x2;
	v5 =	vsub.f32 v23, v1;
	v29 =	vmul.f32 v27, v2  }
0x97: {  	v31 =	vld [tilespmem:s20+$0xFFFFF200];
	v3 =	vmul.f32 v3, v3;
	v9 =	vsub.f32 v26, v10;
	v6 =	vadd.f32 v6, v7  }
0x98: {  	v32 =	vbroadcast v4, $0x3;
	v11 =	vmul.f32 v30, v2;
	v5 =	vsub.f32 v5, v29  }
0x99: {  	v33 =	vld [tilespmem:s20+$0xFFFFF280];
	v7 =	vsub.f32 v25, v1;
	v9 =	vmul.f32 v9, v9;
	v3 =	vadd.f32 v3, v6  }
0x9a: {  	v34 =	vbroadcast v4, $0x4;
	v12 =	vmul.f32 v32, v2;
	v6 =	vsub.f32 v28, v1  }
0x9b: {  	v35 =	vld [tilespmem:s20+$0xFFFFF300];
	v5 =	vmul.f32 v5, v5;
	v7 =	vsub.f32 v7, v11;
	v3 =	vadd.f32 v9, v3  }
0x9c: {  	v37 =	vbroadcast v4, $0x5;
	v36 =	vmul.f32 v34, v2;
	v10 =	vsub.f32 v31, v1  }
0x9d: {  	v6 =	vsub.f32 v6, v12;
	v3 =	vadd.f32 v5, v3;
	v5 =	vmul.f32 v7, v7;
	v7 =	vld [tilespmem:s20+$0xFFFFF380]  }
0x9e: {  	v39 =	vbroadcast v4, $0x6;
	v38 =	vmul.f32 v37, v2;
	v8 =	vsub.f32 v33, v1  }
0x9f: {  	v40 =	vld [tilespmem:s20+$0x0];
	v3 =	vadd.f32 v5, v3;
	v5 =	vmul.f32 v6, v6;
	v6 =	vsub.f32 v10, v36  }
0xa0: {  	v42 =	vbroadcast v4, $0x7;
	v41 =	vmul.f32 v39, v2;
	v9 =	vsub.f32 v35, v1  }
0xa1: {  	v43 =	vld [tilespmem:s20+$0x80];
	v3 =	vadd.f32 v5, v3;
	v5 =	vmul.f32 v6, v6;
	v6 =	vsub.f32 v8, v38  }
0xa2: {  	v45 =	vbroadcast v4, $0x8;
	v44 =	vmul.f32 v42, v2;
	v7 =	vsub.f32 v7, v1  }
0xa3: {  	v46 =	vld [tilespmem:s20+$0x100];
	v3 =	vadd.f32 v5, v3;
	v5 =	vmul.f32 v6, v6;
	v6 =	vsub.f32 v9, v41  }
0xa4: {  	v48 =	vbroadcast v4, $0x9;
	v47 =	vmul.f32 v45, v2;
	v10 =	vsub.f32 v40, v1  }
0xa5: {  	v3 =	vadd.f32 v5, v3;
	v5 =	vmul.f32 v6, v6;
	v6 =	vsub.f32 v7, v44;
	v7 =	vld [tilespmem:s20+$0x180]  }
0xa6: {  	v50 =	vbroadcast v4, $0xA;
	v49 =	vmul.f32 v48, v2;
	v8 =	vsub.f32 v43, v1  }
0xa7: {  	v51 =	vld [tilespmem:s20+$0x200];
	v3 =	vadd.f32 v5, v3;
	v5 =	vmul.f32 v6, v6;
	v6 =	vsub.f32 v10, v47  }
0xa8: {  	v53 =	vbroadcast v4, $0xB;
	v52 =	vmul.f32 v50, v2;
	v9 =	vsub.f32 v46, v1  }
0xa9: {  	v54 =	vld [tilespmem:s20+$0x280];
	v3 =	vadd.f32 v5, v3;
	v5 =	vmul.f32 v6, v6;
	v6 =	vsub.f32 v8, v49  }
0xaa: {  	v56 =	vbroadcast v4, $0xC;
	v55 =	vmul.f32 v53, v2;
	v7 =	vsub.f32 v7, v1  }
0xab: {  	v57 =	vld [tilespmem:s20+$0x300];
	v3 =	vadd.f32 v5, v3;
	v5 =	vmul.f32 v6, v6;
	v6 =	vsub.f32 v9, v52  }
0xac: {  	v59 =	vbroadcast v4, $0xD;
	v58 =	vmul.f32 v56, v2;
	v10 =	vsub.f32 v51, v1  }
0xad: {  	v60 =	vld [tilespmem:s20+$0x380];
	v3 =	vadd.f32 v5, v3;
	v5 =	vmul.f32 v6, v6;
	v6 =	vsub.f32 v7, v55  }
0xae: {  	v62 =	vbroadcast v4, $0xE;
	v61 =	vmul.f32 v59, v2;
	v7 =	vsub.f32 v54, v1  }
0xaf: {  	v3 =	vadd.f32 v5, v3;
	v5 =	vmul.f32 v6, v6;
	v6 =	vsub.f32 v10, v58  }
0xb0: {  	v4 =	vbroadcast v4, $0xF;
	v63 =	vmul.f32 v62, v2;
	v9 =	vsub.f32 v57, v1  }
0xb1: {  	v3 =	vadd.f32 v5, v3;
	v5 =	vmul.f32 v6, v6;
	v6 =	vsub.f32 v7, v61  }
0xb2: {  	v2 =	vmul.f32 v4, v2;
	v1 =	vsub.f32 v60, v1  }
0xb3: {  	s19 =	sadd.s32 $0x1, s19;
	v3 =	vadd.f32 v5, v3;
	v4 =	vmul.f32 v6, v6;
	v5 =	vsub.f32 v9, v63  }
0xb4: {  	p0 =	sne.s32 s19, $0x20  }
.Ltmp2:
0xb5: {  	v1 =	vsub.f32 v1, v2;
	v3 =	vadd.f32 v4, v3;
	v4 =	vmul.f32 v5, v5;
	(pc) =	sbr.rel @p0 .LBB2_4-.Ltmp2, $3  }
0xb6: {  	_ = 	snop  }
0xb7: {  	v1 =	vmul.f32 v1, v1;
	v2 =	vadd.f32 v4, v3;
	_ =	sdelay $0x1  }
0xb8: {  	s18 =	sadd.s32 $0x80, s18;
	s17 =	sadd.s32 $0x1, s17;
	v5 =	vadd.f32 v1, v2  }
0xb9: {  	_ =	swait.ge [sflag:s14], $0x8000  }
0xba: {  	s17 =	simm.s32 $0x0;
	[sflag:s14] =	ssyncset.done $0x0  }
0xbb: {  	s18 =	simm.s32 $0x0;
	s19 =	simm.s32 $0x0;
	[sflag:s14] =	ssyncadd.s32 $0xFFFF8000  }
.LBB2_8:
0xbc: {  	s20 =	sshll.u32 s18, $0x2;
	s21 =	sand.u32 $0x7, s17  }
0xbd: {  	s20 =	sand.u32 $0xFFFFF000, s20;
	s21 =	sshll.u32 s21, $0x6  }
0xbe: {  	s20 =	sor.u32 s21, s20  }
0xbf: {  	s20 =	sshrl.u32 s20, $0x2  }
0xc0: {  	v3 =	vmov s20  }
0xc1: {  	s28 =	sshll.u32 s19, $0x4;
	s22 =	sshll.u32 s19, $0x5;
	s30 =	simm.s32 $0x10040  }
0xc2: {  	s23 =	sand.u32 $0x70, s28;
	s22 =	sand.u32 $0x300, s22;
	v4 =	vld [tilespmem:s30+$0x0]  }
0xc3: {  	v2 =	vld [tilespmem:s28+$0x10500];
	s29 =	sor.u32 s23, s22  }
0xc4: {  	s31 =	simm.s32 $0x0;
	v1 =	vld [tilespmem:s29+$0x10100]  }
0xc5: {  	v6 =	vld.idx.msk [tilespmem:v3+s31+$0x8000 ss:$0x1], $0xffff;
	_ =	sdelay $0x1  }
0xc6: {  	v7 =	vld.idx.msk [tilespmem:v3+s31+$0x8080 ss:$0x1], $0xffff  }
0xc7: {  	v8 =	vbroadcast v4, $0x0;
	v9 =	vld.idx.msk [tilespmem:v3+s31+$0x8100 ss:$0x1], $0xffff;
	_ =	sdelay $0x1  }
0xc8: {  	v10 =	vbroadcast v4, $0x1;
	v8 =	vmul.f32 v8, v2;
	v11 =	vld.idx.msk [tilespmem:v3+s31+$0x8180 ss:$0x1], $0xffff;
	v6 =	vsub.f32 v6, v1  }
0xc9: {  	v12 =	vbroadcast v4, $0x2  }
0xca: {  	v10 =	vmul.f32 v10, v2;
	v13 =	vld.idx.msk [tilespmem:v3+s31+$0x8200 ss:$0x1], $0xffff;
	v7 =	vsub.f32 v7, v1;
	v6 =	vsub.f32 v6, v8  }
0xcb: {  	v8 =	vsub.f32 v9, v1;
	v9 =	vbroadcast v4, $0x3  }
0xcc: {  	v12 =	vmul.f32 v12, v2;
	v14 =	vld.idx.msk [tilespmem:v3+s31+$0x8280 ss:$0x1], $0xffff;
	v7 =	vsub.f32 v7, v10;
	v6 =	vmul.f32 v6, v6  }
0xcd: {  	v10 =	vsub.f32 v11, v1;
	v11 =	vbroadcast v4, $0x4;
	v9 =	vmul.f32 v9, v2  }
0xce: {  	v15 =	vld.idx.msk [tilespmem:v3+s31+$0x8300 ss:$0x1], $0xffff;
	v5 =	vadd.f32 v6, v5;
	v6 =	vmul.f32 v7, v7;
	v7 =	vsub.f32 v8, v12  }
0xcf: {  	v11 =	vmul.f32 v11, v2;
	v8 =	vsub.f32 v13, v1;
	v12 =	vbroadcast v4, $0x5  }
0xd0: {  	v13 =	vld.idx.msk [tilespmem:v3+s31+$0x8380 ss:$0x1], $0xffff;
	v5 =	vadd.f32 v6, v5;
	v6 =	vmul.f32 v7, v7;
	v7 =	vsub.f32 v10, v9  }
0xd1: {  	v9 =	vsub.f32 v14, v1;
	v10 =	vmul.f32 v12, v2;
	v12 =	vbroadcast v4, $0x6  }
0xd2: {  	v14 =	vld.idx.msk [tilespmem:v3+s31+$0x9000 ss:$0x1], $0xffff;
	v5 =	vadd.f32 v6, v5;
	v6 =	vmul.f32 v7, v7;
	v7 =	vsub.f32 v8, v11  }
0xd3: {  	v8 =	vsub.f32 v15, v1;
	v11 =	vmul.f32 v12, v2;
	v12 =	vbroadcast v4, $0x7  }
0xd4: {  	v15 =	vld.idx.msk [tilespmem:v3+s31+$0x9080 ss:$0x1], $0xffff;
	v5 =	vadd.f32 v6, v5;
	v6 =	vmul.f32 v7, v7;
	v7 =	vsub.f32 v9, v10  }
0xd5: {  	v9 =	vsub.f32 v13, v1;
	v10 =	vmul.f32 v12, v2;
	v12 =	vbroadcast v4, $0x8  }
0xd6: {  	v13 =	vld.idx.msk [tilespmem:v3+s31+$0x9100 ss:$0x1], $0xffff;
	v5 =	vadd.f32 v6, v5;
	v6 =	vmul.f32 v7, v7;
	v7 =	vsub.f32 v8, v11  }
0xd7: {  	v8 =	vsub.f32 v14, v1;
	v11 =	vmul.f32 v12, v2;
	v12 =	vbroadcast v4, $0x9  }
0xd8: {  	v14 =	vld.idx.msk [tilespmem:v3+s31+$0x9180 ss:$0x1], $0xffff;
	v5 =	vadd.f32 v6, v5;
	v6 =	vmul.f32 v7, v7;
	v7 =	vsub.f32 v9, v10  }
0xd9: {  	v9 =	vsub.f32 v15, v1;
	v10 =	vmul.f32 v12, v2;
	v12 =	vbroadcast v4, $0xA  }
0xda: {  	v15 =	vld.idx.msk [tilespmem:v3+s31+$0x9200 ss:$0x1], $0xffff;
	v5 =	vadd.f32 v6, v5;
	v6 =	vmul.f32 v7, v7;
	v7 =	vsub.f32 v8, v11  }
0xdb: {  	v8 =	vsub.f32 v13, v1;
	v11 =	vmul.f32 v12, v2;
	v12 =	vbroadcast v4, $0xB  }
0xdc: {  	v16 =	vld.idx.msk [tilespmem:v3+s31+$0x9280 ss:$0x1], $0xffff;
	v9 =	vsub.f32 v9, v10;
	v5 =	vadd.f32 v6, v5;
	v6 =	vmul.f32 v7, v7  }
0xdd: {  	v10 =	vbroadcast v4, $0xC;
	v17 =	vsub.f32 v14, v1;
	v12 =	vmul.f32 v12, v2  }
0xde: {  	v7 =	vld.idx.msk [tilespmem:v3+s31+$0x9300 ss:$0x1], $0xffff;
	v14 =	vmul.f32 v9, v9;
	v8 =	vsub.f32 v8, v11;
	v13 =	vadd.f32 v6, v5  }
0xdf: {  	s21 =	simm.s32 $0x10050;
	v18 =	vbroadcast v4, $0xD;
	v10 =	vmul.f32 v10, v2;
	v9 =	vsub.f32 v15, v1;
	v6 =	vld.idx.msk [tilespmem:v3+s31+$0x9380 ss:$0x1], $0xffff  }
0xe0: {  	s20 =	simm.s32 $0x2000;
	v5 =	vld [tilespmem:s21+$0x0];
	v15 =	vsub.f32 v17, v12;
	v13 =	vadd.f32 v14, v13;
	v14 =	vmul.f32 v8, v8  }
0xe1: {  	s22 =	simm.s32 $0x10000;
	v11 =	vsub.f32 v16, v1;
	v16 =	vbroadcast v4, $0xE;
	v12 =	vmul.f32 v18, v2;
	v8 =	vld.idx.msk [tilespmem:v3+s20+$0x8000 ss:$0x1], $0xffff  }
.LBB2_9:
0xe2: {  	p0 =	sne.s32 s22, $0x18000;
	v13 =	vadd.f32 v14, v13;
	v14 =	vmul.f32 v15, v15;
	v9 =	vsub.f32 v9, v10  }
0xe3: {  	v7 =	vsub.f32 v7, v1;
	v17 =	vbroadcast v4, $0xF;
	v10 =	vld.idx.msk [tilespmem:v3+s20+$0x8080 ss:$0x1], $0xffff;
	v15 =	vmul.f32 v16, v2  }
0xe4: {  	v11 =	vsub.f32 v11, v12;
	v13 =	vadd.f32 v14, v13;
	v9 =	vmul.f32 v9, v9  }
0xe5: {  	v6 =	vsub.f32 v6, v1;
	v16 =	vmul.f32 v17, v2;
	v12 =	vbroadcast v5, $0x0;
	v14 =	vld.idx.msk [tilespmem:v3+s20+$0x8100 ss:$0x1], $0xffff;
	v4 =	vmovc v5  }
0xe6: {  	v7 =	vsub.f32 v7, v15;
	v5 =	vadd.f32 v9, v13;
	v9 =	vmul.f32 v11, v11  }
0xe7: {  	v8 =	vsub.f32 v8, v1;
	v11 =	vmul.f32 v12, v2;
	v12 =	vbroadcast v4, $0x1;
	v13 =	vld.idx.msk [tilespmem:v3+s20+$0x8180 ss:$0x1], $0xffff  }
0xe8: {  	v6 =	vsub.f32 v6, v16;
	v7 =	vmul.f32 v7, v7;
	v5 =	vadd.f32 v9, v5  }
0xe9: {  	v9 =	vsub.f32 v10, v1;
	v10 =	vmul.f32 v12, v2;
	v12 =	vbroadcast v4, $0x2;
	v15 =	vld.idx.msk [tilespmem:v3+s20+$0x8200 ss:$0x1], $0xffff  }
0xea: {  	v6 =	vmul.f32 v6, v6;
	v8 =	vsub.f32 v8, v11;
	v5 =	vadd.f32 v7, v5  }
0xeb: {  	v7 =	vsub.f32 v14, v1;
	v11 =	vmul.f32 v12, v2;
	v12 =	vbroadcast v4, $0x3;
	v14 =	vld.idx.msk [tilespmem:v3+s20+$0x8280 ss:$0x1], $0xffff  }
0xec: {  	v8 =	vmul.f32 v8, v8;
	v9 =	vsub.f32 v9, v10;
	v5 =	vadd.f32 v6, v5  }
0xed: {  	v6 =	vsub.f32 v13, v1;
	v10 =	vmul.f32 v12, v2;
	v12 =	vbroadcast v4, $0x4;
	v13 =	vld.idx.msk [tilespmem:v3+s20+$0x8300 ss:$0x1], $0xffff  }
0xee: {  	v7 =	vsub.f32 v7, v11;
	v5 =	vadd.f32 v8, v5;
	v8 =	vmul.f32 v9, v9  }
0xef: {  	v9 =	vsub.f32 v15, v1;
	v11 =	vmul.f32 v12, v2;
	v12 =	vbroadcast v4, $0x5;
	v15 =	vld.idx.msk [tilespmem:v3+s20+$0x8380 ss:$0x1], $0xffff  }
0xf0: {  	v7 =	vmul.f32 v7, v7;
	v6 =	vsub.f32 v6, v10;
	v5 =	vadd.f32 v8, v5  }
0xf1: {  	v8 =	vsub.f32 v14, v1;
	v10 =	vmul.f32 v12, v2;
	v12 =	vbroadcast v4, $0x6;
	v14 =	vld.idx.msk [tilespmem:v3+s20+$0x9000 ss:$0x1], $0xffff  }
0xf2: {  	v6 =	vmul.f32 v6, v6;
	v5 =	vadd.f32 v7, v5;
	v7 =	vsub.f32 v9, v11  }
0xf3: {  	v9 =	vsub.f32 v13, v1;
	v11 =	vmul.f32 v12, v2;
	v12 =	vbroadcast v4, $0x7;
	v13 =	vld.idx.msk [tilespmem:v3+s20+$0x9080 ss:$0x1], $0xffff  }
0xf4: {  	v5 =	vadd.f32 v6, v5;
	v6 =	vmul.f32 v7, v7;
	v7 =	vsub.f32 v8, v10  }
0xf5: {  	v8 =	vsub.f32 v15, v1;
	v10 =	vmul.f32 v12, v2;
	v12 =	vbroadcast v4, $0x8;
	v15 =	vld.idx.msk [tilespmem:v3+s20+$0x9100 ss:$0x1], $0xffff  }
0xf6: {  	v5 =	vadd.f32 v6, v5;
	v6 =	vmul.f32 v7, v7;
	v7 =	vsub.f32 v9, v11  }
0xf7: {  	v9 =	vsub.f32 v14, v1;
	v11 =	vmul.f32 v12, v2;
	v12 =	vbroadcast v4, $0x9;
	v14 =	vld.idx.msk [tilespmem:v3+s20+$0x9180 ss:$0x1], $0xffff  }
0xf8: {  	v5 =	vadd.f32 v6, v5;
	v6 =	vmul.f32 v7, v7;
	v7 =	vsub.f32 v8, v10  }
0xf9: {  	v8 =	vsub.f32 v13, v1;
	v10 =	vmul.f32 v12, v2;
	v12 =	vbroadcast v4, $0xA;
	v13 =	vld.idx.msk [tilespmem:v3+s20+$0x9200 ss:$0x1], $0xffff  }
0xfa: {  	v5 =	vadd.f32 v6, v5;
	v6 =	vmul.f32 v7, v7;
	v7 =	vsub.f32 v9, v11  }
0xfb: {  	v9 =	vsub.f32 v15, v1;
	v11 =	vmul.f32 v12, v2;
	v12 =	vbroadcast v4, $0xB;
	v16 =	vld.idx.msk [tilespmem:v3+s20+$0x9280 ss:$0x1], $0xffff  }
0xfc: {  	v8 =	vsub.f32 v8, v10;
	v5 =	vadd.f32 v6, v5;
	v6 =	vmul.f32 v7, v7  }
.Ltmp3:
0xfd: {  	v10 =	vbroadcast v4, $0xC;
	v15 =	vsub.f32 v14, v1;
	v12 =	vmul.f32 v12, v2;
	v7 =	vld.idx.msk [tilespmem:v3+s20+$0x9300 ss:$0x1], $0xffff;
	(pc) =	sbr.rel @p0 .LBB2_9-.Ltmp3, $4  }
0xfe: {  	v8 =	vmul.f32 v8, v8;
	v11 =	vsub.f32 v9, v11;
	v14 =	vadd.f32 v6, v5  }
0xff: {  	s21 =	sadd.s32 $0x10, s21;
	v17 =	vbroadcast v4, $0xD;
	v10 =	vmul.f32 v10, v2;
	v9 =	vsub.f32 v13, v1;
	v6 =	vld.idx.msk [tilespmem:v3+s20+$0x9380 ss:$0x1], $0xffff  }
0x100: {  	s20 =	sshra.s32 s22, $0x2;
	v15 =	vsub.f32 v15, v12;
	v5 =	vld [tilespmem:s21+$0x0];
	v13 =	vadd.f32 v8, v14;
	v14 =	vmul.f32 v11, v11  }
0x101: {  	s22 =	sadd.s32 $0x8000, s22;
	v12 =	vmul.f32 v17, v2;
	v11 =	vsub.f32 v16, v1;
	v16 =	vbroadcast v4, $0xE;
	v8 =	vld.idx.msk [tilespmem:v3+s20+$0x8000 ss:$0x1], $0xffff  }
0x102: {  	_ =	sdelay $0x1  }
0x103: {  	v13 =	vadd.f32 v14, v13;
	v53 =	vmul.f32 v15, v15;
	v9 =	vsub.f32 v9, v10  }
0x104: {  	v7 =	vsub.f32 v7, v1;
	v4 =	vbroadcast v4, $0xF;
	v54 =	vmul.f32 v16, v2  }
0x105: {  	v55 =	vld.idx.msk [tilespmem:v3+s20+$0x8080 ss:$0x1], $0xffff;
	v11 =	vsub.f32 v11, v12;
	v13 =	vadd.f32 v53, v13;
	v9 =	vmul.f32 v9, v9  }
0x106: {  	v6 =	vsub.f32 v6, v1;
	v4 =	vmul.f32 v4, v2;
	v56 =	vbroadcast v5, $0x0  }
0x107: {  	v57 =	vld.idx.msk [tilespmem:v3+s20+$0x8100 ss:$0x1], $0xffff;
	v11 =	vmul.f32 v11, v11;
	v7 =	vsub.f32 v7, v54;
	v9 =	vadd.f32 v9, v13  }
0x108: {  	v59 =	vbroadcast v5, $0x1;
	v8 =	vsub.f32 v8, v1;
	v4 =	vsub.f32 v6, v4  }
0x109: {  	v58 =	vmul.f32 v56, v2;
	v7 =	vmul.f32 v7, v7;
	v9 =	vadd.f32 v11, v9  }
0x10a: {  	v60 =	vld.idx.msk [tilespmem:v3+s20+$0x8180 ss:$0x1], $0xffff;
	v62 =	vbroadcast v5, $0x2;
	v6 =	vsub.f32 v55, v1;
	v61 =	vmul.f32 v59, v2  }
0x10b: {  	v63 =	vld.idx.msk [tilespmem:v3+s20+$0x8200 ss:$0x1], $0xffff;
	v4 =	vmul.f32 v4, v4;
	v8 =	vsub.f32 v8, v58;
	v7 =	vadd.f32 v7, v9  }
0x10c: {  	v18 =	vbroadcast v5, $0x3;
	v16 =	vsub.f32 v57, v1;
	v17 =	vmul.f32 v62, v2  }
0x10d: {  	v19 =	vld.idx.msk [tilespmem:v3+s20+$0x8280 ss:$0x1], $0xffff;
	v6 =	vsub.f32 v6, v61;
	v8 =	vmul.f32 v8, v8;
	v4 =	vadd.f32 v4, v7  }
0x10e: {  	v21 =	vbroadcast v5, $0x4;
	v20 =	vmul.f32 v18, v2;
	v23 =	vsub.f32 v16, v17  }
0x10f: {  	v22 =	vld.idx.msk [tilespmem:v3+s20+$0x8300 ss:$0x1], $0xffff;
	v6 =	vmul.f32 v6, v6;
	v7 =	vsub.f32 v60, v1;
	v4 =	vadd.f32 v8, v4  }
0x110: {  	v26 =	vbroadcast v5, $0x5;
	v24 =	vsub.f32 v63, v1;
	v25 =	vmul.f32 v21, v2  }
0x111: {  	v27 =	vld.idx.msk [tilespmem:v3+s20+$0x8380 ss:$0x1], $0xffff;
	v7 =	vsub.f32 v7, v20;
	v4 =	vadd.f32 v6, v4;
	v6 =	vmul.f32 v23, v23  }
0x112: {  	v30 =	vbroadcast v5, $0x6;
	v28 =	vsub.f32 v19, v1;
	v29 =	vmul.f32 v26, v2  }
0x113: {  	v31 =	vld.idx.msk [tilespmem:v3+s20+$0x9000 ss:$0x1], $0xffff;
	v4 =	vadd.f32 v6, v4;
	v6 =	vmul.f32 v7, v7;
	v7 =	vsub.f32 v24, v25  }
0x114: {  	v34 =	vbroadcast v5, $0x7;
	v32 =	vsub.f32 v22, v1;
	v33 =	vmul.f32 v30, v2  }
0x115: {  	v35 =	vld.idx.msk [tilespmem:v3+s20+$0x9080 ss:$0x1], $0xffff;
	v4 =	vadd.f32 v6, v4;
	v6 =	vmul.f32 v7, v7;
	v7 =	vsub.f32 v28, v29  }
0x116: {  	v38 =	vbroadcast v5, $0x8;
	v36 =	vsub.f32 v27, v1;
	v37 =	vmul.f32 v34, v2  }
0x117: {  	v39 =	vld.idx.msk [tilespmem:v3+s20+$0x9100 ss:$0x1], $0xffff;
	v4 =	vadd.f32 v6, v4;
	v6 =	vmul.f32 v7, v7;
	v7 =	vsub.f32 v32, v33  }
0x118: {  	v42 =	vbroadcast v5, $0x9;
	v40 =	vsub.f32 v31, v1;
	v41 =	vmul.f32 v38, v2  }
0x119: {  	v43 =	vld.idx.msk [tilespmem:v3+s20+$0x9180 ss:$0x1], $0xffff;
	v4 =	vadd.f32 v6, v4;
	v6 =	vmul.f32 v7, v7;
	v7 =	vsub.f32 v36, v37  }
0x11a: {  	v46 =	vbroadcast v5, $0xA;
	v44 =	vsub.f32 v35, v1;
	v45 =	vmul.f32 v42, v2  }
0x11b: {  	v47 =	vld.idx.msk [tilespmem:v3+s20+$0x9200 ss:$0x1], $0xffff;
	v4 =	vadd.f32 v6, v4;
	v6 =	vmul.f32 v7, v7;
	v7 =	vsub.f32 v40, v41  }
0x11c: {  	v50 =	vbroadcast v5, $0xB;
	v48 =	vsub.f32 v39, v1;
	v49 =	vmul.f32 v46, v2  }
0x11d: {  	v51 =	vld.idx.msk [tilespmem:v3+s20+$0x9280 ss:$0x1], $0xffff;
	v4 =	vadd.f32 v6, v4;
	v6 =	vmul.f32 v7, v7;
	v7 =	vsub.f32 v44, v45  }
0x11e: {  	v54 =	vbroadcast v5, $0xC;
	v52 =	vsub.f32 v43, v1;
	v53 =	vmul.f32 v50, v2  }
0x11f: {  	v55 =	vld.idx.msk [tilespmem:v3+s20+$0x9300 ss:$0x1], $0xffff;
	v4 =	vadd.f32 v6, v4;
	v6 =	vmul.f32 v7, v7;
	v7 =	vsub.f32 v48, v49  }
0x120: {  	v56 =	vsub.f32 v47, v1;
	v57 =	vmul.f32 v54, v2;
	v58 =	vbroadcast v5, $0xD  }
0x121: {  	v3 =	vld.idx.msk [tilespmem:v3+s20+$0x9380 ss:$0x1], $0xffff;
	v4 =	vadd.f32 v6, v4;
	v6 =	vmul.f32 v7, v7;
	v7 =	vsub.f32 v52, v53  }
0x122: {  	v59 =	vsub.f32 v51, v1;
	v61 =	vbroadcast v5, $0xE;
	v60 =	vmul.f32 v58, v2  }
0x123: {  	v4 =	vadd.f32 v6, v4;
	v6 =	vmul.f32 v7, v7;
	v7 =	vsub.f32 v56, v57  }
0x124: {  	v5 =	vbroadcast v5, $0xF;
	v63 =	vmul.f32 v61, v2;
	v62 =	vsub.f32 v55, v1  }
0x125: {  	v4 =	vadd.f32 v6, v4;
	v6 =	vmul.f32 v7, v7;
	v7 =	vsub.f32 v59, v60  }
0x126: {  	v1 =	vsub.f32 v3, v1;
	v2 =	vmul.f32 v5, v2  }
0x127: {  	s19 =	sadd.s32 $0x1, s19;
	v5 =	vsub.f32 v62, v63;
	v3 =	vadd.f32 v6, v4;
	v4 =	vmul.f32 v7, v7  }
0x128: {  	p0 =	sne.s32 s19, $0x20  }
.Ltmp4:
0x129: {  	v1 =	vsub.f32 v1, v2;
	v3 =	vadd.f32 v4, v3;
	v4 =	vmul.f32 v5, v5;
	(pc) =	sbr.rel @p0 .LBB2_8-.Ltmp4, $3  }
0x12a: {  	_ = 	snop  }
0x12b: {  	v1 =	vmul.f32 v1, v1;
	v2 =	vadd.f32 v4, v3;
	_ =	sdelay $0x1  }
0x12c: {  	s18 =	sadd.s32 $0x80, s18;
	s17 =	sadd.s32 $0x1, s17;
	v5 =	vadd.f32 v1, v2  }
0x12d: {  	s16 =	sadd.s32 $0x1, s16  }
0x12e: {  	p0 =	sne.s32 s16, s8  }
.Ltmp5:
0x12f: {  	[tilespmem:$0x10700] =	vst v5;
	(pc) =	sbr.rel @p0 .LBB2_1-.Ltmp5, $4  }
0x130: {  	[hbm4b:s7+s3] =	stream.linear.scatter [tilespmem:s15], [sflag:$0x3], $0x80, $0x38;
	[tilespmem:$0x10780] =	vst v63  }
0x131: {  	_ =	swait.ge [sflag:s10], $0x80  }
0x132: {  	[sflag:s10] =	ssyncset.done $0x0  }
0x133: {  	[sflag:s10] =	ssyncadd.s32 $0xFFFFFF80  }
0x134: {  	_ =	sfence.sel $0x180000  }
0x135: {  	[bflag:$0x0] =	sbarrier.arrive $0xFFFF  }
0x136: {  	p0 =	sne.s32 s2, $0x0;
	_ =	strace $0x90000047  }
0x137: {  	s0 =	sadd.s32 @!p0 $0x100000, s0;
	[bflag:$0x2] =	sbarrier.arrive $0xFFFF  }
0x138: {  	[sflag:s0] =	ssyncadd.tile.s32 @!p0 $0x1;
	_ =	shalt  }
.Lfunc_end2:
_tile_overlayer_lowered:
.L_overlay_start_2:
0x139: {  	(tag) =	ssettag $0x2  }
0x13a: {  	s0 =	rddreg [dreg:$0x0];
	s2 =	stileid.u32  }
0x13b: {  	s1 =	rddreg [dreg:$0x1];
	p0 =	sne.s32 s2, $0x0  }
0x13c: {  	s3 =	rddreg [dreg:$0x2];
	[bflag:$0x3] =	sbarrier.arrive $0xFFFF;
	s2 =	simm.s32 @!p0 $0x1C03  }
0x13d: {  	[timem:s3], [sflag:s2] =	dma.local @!p0 [hbm:s0], s1  }
0x13e: {  	s0 =	simm.s32 @!p0 $0x3  }
0x13f: {  	_ =	swait.ge @!p0 [sflag:s0], s1  }
0x140: {  	s1 =	ssub.s32 @!p0 $0x0, s1;
	[sflag:s0] =	ssyncset.done @!p0 $0x0  }
0x141: {  	[sflag:s0] =	ssyncadd.s32 @!p0 s1  }
0x142: {  	[bflag:$0x3] =	sbarrier.arrive $0xFFFF  }
0x143: {  	_ =	shalt  }

</sc_bundles>
